<compile_context>
chip_gen: v7x
topology: tpu7x:2x2x1
jax: 0.10.2.dev20260603
libtpu: 0.0.44.dev20260713+nightly
codegen_flags: <defaults>
</compile_context>

<pallas_src>
import functools

import jax
import jax.numpy as jnp
from jax import lax
from jax.experimental import pallas as pl
from jax.experimental.pallas import tpu as pltpu
from jax.experimental.pallas import tpu_sc as plsc

N_NODES = 10000
NODE_DIM = 128
N_EDGES = 320000
N_GRAPHS = 64
NUM_LAYERS = 3

NC = 2
NS = 16
NW = NC * NS
CHUNK = 128
NCH = N_EDGES // CHUNK
CH_PER_TILE = -(-NCH // NW)
N_PAD = 10240
ROWS_PER_TILE = N_PAD // NS

BLK = 2000
GRID = N_NODES // BLK

_sc_mesh = plsc.VectorSubcoreMesh(core_axis_name="c", subcore_axis_name="s")


@functools.partial(
    pl.kernel,
    out_type=jax.ShapeDtypeStruct((NC, N_PAD, NODE_DIM), jnp.float32),
    mesh=_sc_mesh,
    scratch_types=[
        pltpu.VMEM_SHARED((N_PAD, NODE_DIM), jnp.float32),
        pltpu.VMEM((CHUNK,), jnp.int32),
        pltpu.VMEM((CHUNK,), jnp.int32),
        pltpu.VMEM((CHUNK, NODE_DIM), jnp.float32),
        pltpu.SemaphoreType.DMA,
    ],
)
def _sc_agg(h_hbm, src_hbm, dst_hbm, zeros_hbm, out_hbm, acc, sidx, didx, rows, sem):
    cid = lax.axis_index("c")
    sid = lax.axis_index("s")
    wid = sid * NC + cid
    row0 = sid * ROWS_PER_TILE
    pltpu.sync_copy(zeros_hbm, acc.at[pl.ds(row0, ROWS_PER_TILE)])
    plsc.subcore_barrier()

    def body(j, carry):
        c = wid + NW * j

        @pl.when(c < NCH)
        def _():
            base = c * CHUNK
            pltpu.sync_copy(src_hbm.at[pl.ds(base, CHUNK)], sidx)
            pltpu.sync_copy(dst_hbm.at[pl.ds(base, CHUNK)], didx)
            pltpu.async_copy(h_hbm.at[sidx], rows, sem).wait()
            pltpu.sync_copy(rows, acc.at[didx], add=True)

        return carry

    lax.fori_loop(0, CH_PER_TILE, body, 0)
    plsc.subcore_barrier()
    pltpu.sync_copy(acc.at[pl.ds(row0, ROWS_PER_TILE)],
                    out_hbm.at[cid, pl.ds(row0, ROWS_PER_TILE)])


def _layer_body(scale_ref, gid_ref, h_ref, agg_ref, w1_ref, b1_ref, w2_ref,
                b2_ref, hout_ref, hg_ref, acc_ref):
    i = pl.program_id(0)
    z = scale_ref[0] * h_ref[...] + agg_ref[0] + agg_ref[1]
    z = jnp.maximum(
        jnp.dot(z, w1_ref[...], preferred_element_type=jnp.float32) + b1_ref[...], 0.0)
    z = jnp.maximum(
        jnp.dot(z, w2_ref[...], preferred_element_type=jnp.float32) + b2_ref[...], 0.0)
    hout_ref[...] = z
    g = gid_ref[0, 0, :]
    m = (lax.broadcasted_iota(jnp.int32, (N_GRAPHS, BLK), 0)
         == g[None, :]).astype(jnp.float32)
    part = jnp.dot(m, z, preferred_element_type=jnp.float32)

    @pl.when(i == 0)
    def _():
        acc_ref[...] = part

    @pl.when(i > 0)
    def _():
        acc_ref[...] += part

    @pl.when(i == pl.num_programs(0) - 1)
    def _():
        hg_ref[...] = acc_ref[...]


def _tc_layer(scale, gids3, h, agg, w1, b1, w2, b2):
    return pl.pallas_call(
        _layer_body,
        grid=(GRID,),
        in_specs=[
            pl.BlockSpec(memory_space=pltpu.SMEM),
            pl.BlockSpec((1, 1, BLK), lambda i: (i, 0, 0)),
            pl.BlockSpec((BLK, NODE_DIM), lambda i: (i, 0)),
            pl.BlockSpec((NC, BLK, NODE_DIM), lambda i: (0, i, 0)),
            pl.BlockSpec((NODE_DIM, NODE_DIM), lambda i: (0, 0)),
            pl.BlockSpec((1, NODE_DIM), lambda i: (0, 0)),
            pl.BlockSpec((NODE_DIM, NODE_DIM), lambda i: (0, 0)),
            pl.BlockSpec((1, NODE_DIM), lambda i: (0, 0)),
        ],
        out_specs=[
            pl.BlockSpec((BLK, NODE_DIM), lambda i: (i, 0)),
            pl.BlockSpec((N_GRAPHS, NODE_DIM), lambda i: (0, 0)),
        ],
        out_shape=[
            jax.ShapeDtypeStruct((N_NODES, NODE_DIM), jnp.float32),
            jax.ShapeDtypeStruct((N_GRAPHS, NODE_DIM), jnp.float32),
        ],
        scratch_shapes=[pltpu.VMEM((N_GRAPHS, NODE_DIM), jnp.float32)],
    )(scale, gids3, h, agg, w1, b1, w2, b2)


def _readout_body(hg1_ref, hg2_ref, hg3_ref, r1_ref, rb1_ref, r2_ref, rb2_ref,
                  out_ref):
    t = (jnp.dot(hg1_ref[...], r1_ref[0:NODE_DIM],
                 preferred_element_type=jnp.float32)
         + jnp.dot(hg2_ref[...], r1_ref[NODE_DIM:2 * NODE_DIM],
                   preferred_element_type=jnp.float32)
         + jnp.dot(hg3_ref[...], r1_ref[2 * NODE_DIM:3 * NODE_DIM],
                   preferred_element_type=jnp.float32)
         + rb1_ref[...])
    t = jnp.maximum(t, 0.0)
    out_ref[...] = (jnp.dot(t, r2_ref[...], preferred_element_type=jnp.float32)
                    + rb2_ref[...])


def _readout(hg1, hg2, hg3, r1, rb1, r2, rb2):
    return pl.pallas_call(
        _readout_body,
        out_shape=jax.ShapeDtypeStruct((N_GRAPHS, 64), jnp.float32),
    )(hg1, hg2, hg3, r1, rb1, r2, rb2)


def kernel(x, edge_index, graph_ids, batch_size, params):
    src = edge_index[0]
    dst = edge_index[1]
    zeros = jnp.zeros((ROWS_PER_TILE, NODE_DIM), jnp.float32)
    gids3 = graph_ids.reshape(GRID, 1, BLK).astype(jnp.int32)
    h = x
    hgs = []
    for i in range(NUM_LAYERS):
        agg = _sc_agg(h, src, dst, zeros)
        scale = (1.0 + params[f'eps_{i}']).reshape(1)
        h, hg = _tc_layer(scale, gids3, h, agg,
                          params[f'W1_{i}'], params[f'b1_{i}'].reshape(1, -1),
                          params[f'W2_{i}'], params[f'b2_{i}'].reshape(1, -1))
        hgs.append(hg)
    return _readout(hgs[0], hgs[1], hgs[2], params['R1'],
                    params['rb1'].reshape(1, -1), params['R2'],
                    params['rb2'].reshape(1, -1))

# --- scband reference (transcript-rebuilt; emitter-appended) ---
"""Pipeline reference for scband-model-74603581932004 (READ-ONLY COPY).

The authoritative reference and input builder live on the scoring server;
editing this copy changes nothing except your own understanding.
"""

import jax, jax.numpy as jnp
import numpy as np

NUM_LAYERS = 3
NODE_DIM = 128
READOUT_HIDDEN = 128
READOUT_OUT = 64
N_NODES = 10000
N_EDGES = 320000
BATCH_SIZE = 64


def setup_inputs(seed: int = 0) -> dict:
    key = jax.random.key(seed)
    ks = jax.random.split(key, 16)
    x = jax.random.normal(ks[0], (N_NODES, NODE_DIM), dtype=jnp.float32)
    edge_index = jax.random.randint(ks[1], (2, N_EDGES), 0, N_NODES)
    graph_ids = jnp.sort(jax.random.randint(ks[2], (N_NODES,), 0, BATCH_SIZE))
    scale = 1.0 / np.sqrt(NODE_DIM)
    params = {}
    ki = 3
    for i in range(NUM_LAYERS):
        params[f'eps_{i}'] = jnp.zeros((), dtype=jnp.float32)
        params[f'W1_{i}'] = jax.random.normal(ks[ki], (NODE_DIM, NODE_DIM), dtype=jnp.float32) * scale
        params[f'b1_{i}'] = jnp.zeros((NODE_DIM,), dtype=jnp.float32)
        params[f'W2_{i}'] = jax.random.normal(ks[ki + 1], (NODE_DIM, NODE_DIM), dtype=jnp.float32) * scale
        params[f'b2_{i}'] = jnp.zeros((NODE_DIM,), dtype=jnp.float32)
        ki += 2
    in_dim = NODE_DIM * NUM_LAYERS
    params['R1'] = jax.random.normal(ks[ki], (in_dim, READOUT_HIDDEN), dtype=jnp.float32) * (1.0 / np.sqrt(in_dim))
    params['rb1'] = jnp.zeros((READOUT_HIDDEN,), dtype=jnp.float32)
    params['R2'] = jax.random.normal(ks[ki + 1], (READOUT_HIDDEN, READOUT_OUT), dtype=jnp.float32) * (1.0 / np.sqrt(READOUT_HIDDEN))
    params['rb2'] = jnp.zeros((READOUT_OUT,), dtype=jnp.float32)
    return {
        'x': x,
        'edge_index': edge_index,
        'graph_ids': graph_ids,
        'batch_size': BATCH_SIZE,
        'params': params,
    }


def _gin_layer(h, src, dst, eps, W1, b1, W2, b2, n_nodes):
    # neighbor sum pooling (neighbor_pooling_type='sum'): scatter-add messages to dst
    msgs = jnp.take(h, src, axis=0)
    agg = jax.ops.segment_sum(msgs, dst, num_segments=n_nodes)
    z = (1.0 + eps) * h + agg
    z = jax.nn.relu(jnp.dot(z, W1) + b1)
    z = jax.nn.relu(jnp.dot(z, W2) + b2)
    return z


def _forward(x, params, edge_index, graph_ids, batch_size):
    src = edge_index[0]
    dst = edge_index[1]
    n_nodes = x.shape[0]
    h = x
    layer_outs = []
    for i in range(NUM_LAYERS):
        h = _gin_layer(h, src, dst, params[f'eps_{i}'], params[f'W1_{i}'], params[f'b1_{i}'],
                       params[f'W2_{i}'], params[f'b2_{i}'], n_nodes)
        layer_outs.append(h)
    # dgl.sum_nodes per layer: segment-sum node features per graph, then stack + flatten
    graph_sums = [jax.ops.segment_sum(ho, graph_ids, num_segments=BATCH_SIZE, indices_are_sorted=True)
                  for ho in layer_outs]
    hg = jnp.stack(graph_sums, axis=1).reshape(BATCH_SIZE, -1)
    # readout MLP (2 layers, relu hidden, linear out)
    hg = jax.nn.relu(jnp.dot(hg, params['R1']) + params['rb1'])
    out = jnp.dot(hg, params['R2']) + params['rb2']
    bs = jnp.asarray(batch_size)
    out = out + (bs - bs).astype(out.dtype)
    return out


def reference(x, edge_index, graph_ids, batch_size, params):
    return _forward(x, params, edge_index, graph_ids, batch_size)

if __name__ == "__main__":
    import jax
    _d = setup_inputs()
    print(jax.jit(kernel)(*tuple(_d.values())))

</pallas_src>

<mosaic_0001>
#map = affine_map<(d0, d1) -> (0, 0)>
#map1 = affine_map<(d0, d1) -> (0)>
#map2 = affine_map<(d0, d1) -> (0, 0, 0)>
module attributes {stable_mosaic.version = 14 : i64} {
  func.func @_sc_agg(%arg0: i32, %arg1: i32, %arg2: memref<10000x128xf32, #tpu.memory_space<hbm>>, %arg3: memref<320000xi32, #tpu.memory_space<hbm>>, %arg4: memref<320000xi32, #tpu.memory_space<hbm>>, %arg5: memref<640x128xf32, #tpu.memory_space<hbm>>, %arg6: memref<2x10240x128xf32, #tpu.memory_space<hbm>>, %arg7: memref<10240x128xf32, #tpu.memory_space<vmem_shared>>, %arg8: memref<128xi32, #tpu.memory_space<vmem>>, %arg9: memref<128xi32, #tpu.memory_space<vmem>>, %arg10: memref<128x128xf32, #tpu.memory_space<vmem>>, %arg11: memref<!tpu.dma_semaphore, #tpu.memory_space<semaphore_mem>>) attributes {dimension_semantics = [#tpu.dimension_semantics<core_parallel>, #tpu.dimension_semantics<subcore_parallel>], iteration_bounds = array<i64: 2, 16>, scalar_prefetch = 0 : i64, scratch_operands = 5 : i64, tpu.core_type = #tpu.core_type<sc_vector_subcore>, window_params = [{transform_indices = #map}, {transform_indices = #map1}, {transform_indices = #map1}, {transform_indices = #map}, {transform_indices = #map2}]} {
    %mul3A = arith.constant 2 : i32
    %mul3A_0 = arith.muli %arg1, %mul3A : i32
    %add3A = arith.addi %mul3A_0, %arg0 : i32
    %mul3A_1 = arith.constant 640 : i32
    %mul3A_2 = arith.muli %arg1, %mul3A_1 : i32
    "tpu.region"() ({
      %run_scoped3A = tpu.sem_alloc : memref<!tpu.dma_semaphore, #tpu.memory_space<semaphore_mem>>
      %dma_start3A = arith.constant 0 : i32
      %dma_start3A_9 = tpu.memref_slice %arg7[%mul3A_2, %dma_start3A] : memref<10240x128xf32, #tpu.memory_space<vmem_shared>> -> memref<640x128xf32, #tpu.memory_space<vmem_shared>>
      tpu.enqueue_dma source(%arg5 : memref<640x128xf32, #tpu.memory_space<hbm>>) target(%dma_start3A_9 : memref<640x128xf32, #tpu.memory_space<vmem_shared>>) target_semaphore(%run_scoped3A : memref<!tpu.dma_semaphore, #tpu.memory_space<semaphore_mem>>)
      %dma_wait3A = arith.constant 0 : i32
      %dma_wait3A_10 = tpu.memref_slice %arg7[%mul3A_2, %dma_wait3A] : memref<10240x128xf32, #tpu.memory_space<vmem_shared>> -> memref<640x128xf32, #tpu.memory_space<vmem_shared>>
      tpu.wait_dma2 semaphore(%run_scoped3A : memref<!tpu.dma_semaphore, #tpu.memory_space<semaphore_mem>>) src(%arg5 : memref<640x128xf32, #tpu.memory_space<hbm>>) dst(%dma_wait3A_10 : memref<640x128xf32, #tpu.memory_space<vmem_shared>>)
      tpu.yield
    }) : () -> ()
    %barrier3A = arith.constant 0 : index
    tpu.barrier barrier_id(%barrier3A)
    %scan3A = arith.constant 0 : i32
    %scan3A_3 = arith.constant 0 : i32
    %scan3A_4 = arith.constant 79 : i32
    %scan3A_5 = arith.addi %scan3A_3, %scan3A_4 : i32
    %scan3A_6 = arith.constant 1 : i32
    scf.for %scan3A_9 = %scan3A_3 to %scan3A_5 step %scan3A_6  : i32 {
      %mul3A_10 = arith.constant 32 : i32
      %mul3A_11 = arith.muli %mul3A_10, %scan3A_9 : i32
      %add3A_12 = arith.addi %add3A, %mul3A_11 : i32
      %lt3A = arith.constant 2500 : i32
      %lt3A_13 = arith.cmpi slt, %add3A_12, %lt3A : i32
      %convert_element_type3A = arith.extui %lt3A_13 : i1 to i32
      %cond3A = arith.constant 0 : i32
      %cond3A_14 = arith.cmpi ne, %convert_element_type3A, %cond3A : i32
      scf.if %cond3A_14 {
        %mul3A_15 = arith.constant 128 : i32
        %mul3A_16 = arith.muli %add3A_12, %mul3A_15 : i32
        "tpu.region"() ({
          %run_scoped3A = tpu.sem_alloc : memref<!tpu.dma_semaphore, #tpu.memory_space<semaphore_mem>>
          %dma_start3A_21 = tpu.memref_slice %arg3[%mul3A_16] : memref<320000xi32, #tpu.memory_space<hbm>> -> memref<128xi32, #tpu.memory_space<hbm>>
          %dma_start3A_22 = tpu.memref_slice %arg3[%mul3A_16] : memref<320000xi32, #tpu.memory_space<hbm>> -> memref<128xi32, #tpu.memory_space<hbm>>
          tpu.enqueue_dma source(%dma_start3A_22 : memref<128xi32, #tpu.memory_space<hbm>>) target(%arg8 : memref<128xi32, #tpu.memory_space<vmem>>) target_semaphore(%run_scoped3A : memref<!tpu.dma_semaphore, #tpu.memory_space<semaphore_mem>>)
          %dma_wait3A_23 = tpu.memref_slice %arg3[%mul3A_16] : memref<320000xi32, #tpu.memory_space<hbm>> -> memref<128xi32, #tpu.memory_space<hbm>>
          %dma_wait3A_24 = tpu.memref_slice %arg3[%mul3A_16] : memref<320000xi32, #tpu.memory_space<hbm>> -> memref<128xi32, #tpu.memory_space<hbm>>
          tpu.wait_dma2 semaphore(%run_scoped3A : memref<!tpu.dma_semaphore, #tpu.memory_space<semaphore_mem>>) src(%dma_wait3A_24 : memref<128xi32, #tpu.memory_space<hbm>>) dst(%arg8 : memref<128xi32, #tpu.memory_space<vmem>>)
          tpu.yield
        }) : () -> ()
        "tpu.region"() ({
          %run_scoped3A = tpu.sem_alloc : memref<!tpu.dma_semaphore, #tpu.memory_space<semaphore_mem>>
          %dma_start3A_21 = tpu.memref_slice %arg4[%mul3A_16] : memref<320000xi32, #tpu.memory_space<hbm>> -> memref<128xi32, #tpu.memory_space<hbm>>
          %dma_start3A_22 = tpu.memref_slice %arg4[%mul3A_16] : memref<320000xi32, #tpu.memory_space<hbm>> -> memref<128xi32, #tpu.memory_space<hbm>>
          tpu.enqueue_dma source(%dma_start3A_22 : memref<128xi32, #tpu.memory_space<hbm>>) target(%arg9 : memref<128xi32, #tpu.memory_space<vmem>>) target_semaphore(%run_scoped3A : memref<!tpu.dma_semaphore, #tpu.memory_space<semaphore_mem>>)
          %dma_wait3A_23 = tpu.memref_slice %arg4[%mul3A_16] : memref<320000xi32, #tpu.memory_space<hbm>> -> memref<128xi32, #tpu.memory_space<hbm>>
          %dma_wait3A_24 = tpu.memref_slice %arg4[%mul3A_16] : memref<320000xi32, #tpu.memory_space<hbm>> -> memref<128xi32, #tpu.memory_space<hbm>>
          tpu.wait_dma2 semaphore(%run_scoped3A : memref<!tpu.dma_semaphore, #tpu.memory_space<semaphore_mem>>) src(%dma_wait3A_24 : memref<128xi32, #tpu.memory_space<hbm>>) dst(%arg9 : memref<128xi32, #tpu.memory_space<vmem>>)
          tpu.yield
        }) : () -> ()
        %dma_start3A = arith.constant 0 : i32
        %dma_start3A_17 = arith.constant 0 : i32
        %dma_start3A_18 = tpu.memref_slice %arg2[%dma_start3A, %dma_start3A_17] : memref<10000x128xf32, #tpu.memory_space<hbm>> -> memref<10000x128xf32, #tpu.memory_space<hbm>>
        tpu.enqueue_indirect_dma source(%dma_start3A_18 : memref<10000x128xf32, #tpu.memory_space<hbm>>) target(%arg10 : memref<128x128xf32, #tpu.memory_space<vmem>>) offsets(%arg8 : memref<128xi32, #tpu.memory_space<vmem>>) semaphore(%arg11 : memref<!tpu.dma_semaphore, #tpu.memory_space<semaphore_mem>>)
        %dma_wait3A = arith.constant 0 : i32
        %dma_wait3A_19 = arith.constant 0 : i32
        %dma_wait3A_20 = tpu.memref_slice %arg2[%dma_wait3A, %dma_wait3A_19] : memref<10000x128xf32, #tpu.memory_space<hbm>> -> memref<10000x128xf32, #tpu.memory_space<hbm>>
        tpu.wait_indirect_dma semaphore(%arg11 : memref<!tpu.dma_semaphore, #tpu.memory_space<semaphore_mem>>) src(%dma_wait3A_20 : memref<10000x128xf32, #tpu.memory_space<hbm>>) dst(%arg10 : memref<128x128xf32, #tpu.memory_space<vmem>>)
        "tpu.region"() ({
          %run_scoped3A = tpu.sem_alloc : memref<!tpu.dma_semaphore, #tpu.memory_space<semaphore_mem>>
          %dma_start3A_21 = arith.constant 0 : i32
          %dma_start3A_22 = arith.constant 0 : i32
          %dma_start3A_23 = tpu.memref_slice %arg7[%dma_start3A_21, %dma_start3A_22] : memref<10240x128xf32, #tpu.memory_space<vmem_shared>> -> memref<10240x128xf32, #tpu.memory_space<vmem_shared>>
          tpu.enqueue_indirect_dma source(%arg10 : memref<128x128xf32, #tpu.memory_space<vmem>>) target(%dma_start3A_23 : memref<10240x128xf32, #tpu.memory_space<vmem_shared>>) offsets(%arg9 : memref<128xi32, #tpu.memory_space<vmem>>) semaphore(%run_scoped3A : memref<!tpu.dma_semaphore, #tpu.memory_space<semaphore_mem>>) {add = true}
          %dma_wait3A_24 = arith.constant 0 : i32
          %dma_wait3A_25 = arith.constant 0 : i32
          %dma_wait3A_26 = tpu.memref_slice %arg7[%dma_wait3A_24, %dma_wait3A_25] : memref<10240x128xf32, #tpu.memory_space<vmem_shared>> -> memref<10240x128xf32, #tpu.memory_space<vmem_shared>>
          tpu.wait_indirect_dma semaphore(%run_scoped3A : memref<!tpu.dma_semaphore, #tpu.memory_space<semaphore_mem>>) src(%arg10 : memref<128x128xf32, #tpu.memory_space<vmem>>) dst(%dma_wait3A_26 : memref<10240x128xf32, #tpu.memory_space<vmem_shared>>)
          tpu.yield
        }) : () -> ()
      } else {
      }
    }
    %scan3A_7 = arith.constant 79 : i32
    %barrier3A_8 = arith.constant 0 : index
    tpu.barrier barrier_id(%barrier3A_8)
    "tpu.region"() ({
      %run_scoped3A = tpu.sem_alloc : memref<!tpu.dma_semaphore, #tpu.memory_space<semaphore_mem>>
      %dma_start3A = arith.constant 0 : i32
      %dma_start3A_9 = tpu.memref_slice %arg6[%arg0, %mul3A_2, %dma_start3A] : memref<2x10240x128xf32, #tpu.memory_space<hbm>> -> memref<1x640x128xf32, #tpu.memory_space<hbm>>
      %dma_start3A_10 = tpu.memref_squeeze %dma_start3A_9 : memref<1x640x128xf32, #tpu.memory_space<hbm>> -> memref<640x128xf32, #tpu.memory_space<hbm>>
      %dma_start3A_11 = arith.constant 0 : i32
      %dma_start3A_12 = tpu.memref_slice %arg7[%mul3A_2, %dma_start3A_11] : memref<10240x128xf32, #tpu.memory_space<vmem_shared>> -> memref<640x128xf32, #tpu.memory_space<vmem_shared>>
      tpu.enqueue_dma source(%dma_start3A_12 : memref<640x128xf32, #tpu.memory_space<vmem_shared>>) target(%dma_start3A_10 : memref<640x128xf32, #tpu.memory_space<hbm>>) target_semaphore(%run_scoped3A : memref<!tpu.dma_semaphore, #tpu.memory_space<semaphore_mem>>)
      %dma_wait3A = arith.constant 0 : i32
      %dma_wait3A_13 = tpu.memref_slice %arg6[%arg0, %mul3A_2, %dma_wait3A] : memref<2x10240x128xf32, #tpu.memory_space<hbm>> -> memref<1x640x128xf32, #tpu.memory_space<hbm>>
      %dma_wait3A_14 = tpu.memref_squeeze %dma_wait3A_13 : memref<1x640x128xf32, #tpu.memory_space<hbm>> -> memref<640x128xf32, #tpu.memory_space<hbm>>
      %dma_wait3A_15 = arith.constant 0 : i32
      %dma_wait3A_16 = tpu.memref_slice %arg7[%mul3A_2, %dma_wait3A_15] : memref<10240x128xf32, #tpu.memory_space<vmem_shared>> -> memref<640x128xf32, #tpu.memory_space<vmem_shared>>
      tpu.wait_dma2 semaphore(%run_scoped3A : memref<!tpu.dma_semaphore, #tpu.memory_space<semaphore_mem>>) src(%dma_wait3A_16 : memref<640x128xf32, #tpu.memory_space<vmem_shared>>) dst(%dma_wait3A_14 : memref<640x128xf32, #tpu.memory_space<hbm>>)
      tpu.yield
    }) : () -> ()
    return
  }
}

#map = affine_map<(d0, d1) -> (0, 0)>
#map1 = affine_map<(d0, d1) -> (0)>
#map2 = affine_map<(d0, d1) -> (0, 0, 0)>
module attributes {stable_mosaic.version = 14 : i64} {
  func.func @_sc_agg(%arg0: i32, %arg1: i32, %arg2: memref<10000x128xf32, #tpu.memory_space<hbm>>, %arg3: memref<320000xi32, #tpu.memory_space<hbm>>, %arg4: memref<320000xi32, #tpu.memory_space<hbm>>, %arg5: memref<640x128xf32, #tpu.memory_space<hbm>>, %arg6: memref<2x10240x128xf32, #tpu.memory_space<hbm>>, %arg7: memref<10240x128xf32, #tpu.memory_space<vmem_shared>>, %arg8: memref<128xi32, #tpu.memory_space<vmem>>, %arg9: memref<128xi32, #tpu.memory_space<vmem>>, %arg10: memref<128x128xf32, #tpu.memory_space<vmem>>, %arg11: memref<!tpu.dma_semaphore, #tpu.memory_space<semaphore_mem>>) attributes {dimension_semantics = [#tpu.dimension_semantics<core_parallel>, #tpu.dimension_semantics<subcore_parallel>], iteration_bounds = array<i64: 2, 16>, scalar_prefetch = 0 : i64, scratch_operands = 5 : i64, tpu.core_type = #tpu.core_type<sc_vector_subcore>, window_params = [{transform_indices = #map}, {transform_indices = #map1}, {transform_indices = #map1}, {transform_indices = #map}, {transform_indices = #map2}]} {
    %mul3A = arith.constant 2 : i32
    %mul3A_0 = arith.muli %arg1, %mul3A : i32
    %add3A = arith.addi %mul3A_0, %arg0 : i32
    %mul3A_1 = arith.constant 640 : i32
    %mul3A_2 = arith.muli %arg1, %mul3A_1 : i32
    "tpu.region"() ({
      %run_scoped3A = tpu.sem_alloc : memref<!tpu.dma_semaphore, #tpu.memory_space<semaphore_mem>>
      %dma_start3A = arith.constant 0 : i32
      %dma_start3A_9 = tpu.memref_slice %arg7[%mul3A_2, %dma_start3A] : memref<10240x128xf32, #tpu.memory_space<vmem_shared>> -> memref<640x128xf32, #tpu.memory_space<vmem_shared>>
      tpu.enqueue_dma source(%arg5 : memref<640x128xf32, #tpu.memory_space<hbm>>) target(%dma_start3A_9 : memref<640x128xf32, #tpu.memory_space<vmem_shared>>) target_semaphore(%run_scoped3A : memref<!tpu.dma_semaphore, #tpu.memory_space<semaphore_mem>>)
      %dma_wait3A = arith.constant 0 : i32
      %dma_wait3A_10 = tpu.memref_slice %arg7[%mul3A_2, %dma_wait3A] : memref<10240x128xf32, #tpu.memory_space<vmem_shared>> -> memref<640x128xf32, #tpu.memory_space<vmem_shared>>
      tpu.wait_dma2 semaphore(%run_scoped3A : memref<!tpu.dma_semaphore, #tpu.memory_space<semaphore_mem>>) src(%arg5 : memref<640x128xf32, #tpu.memory_space<hbm>>) dst(%dma_wait3A_10 : memref<640x128xf32, #tpu.memory_space<vmem_shared>>)
      tpu.yield
    }) : () -> ()
    %barrier3A = arith.constant 0 : index
    tpu.barrier barrier_id(%barrier3A)
    %scan3A = arith.constant 0 : i32
    %scan3A_3 = arith.constant 0 : i32
    %scan3A_4 = arith.constant 79 : i32
    %scan3A_5 = arith.addi %scan3A_3, %scan3A_4 : i32
    %scan3A_6 = arith.constant 1 : i32
    scf.for %scan3A_9 = %scan3A_3 to %scan3A_5 step %scan3A_6  : i32 {
      %mul3A_10 = arith.constant 32 : i32
      %mul3A_11 = arith.muli %mul3A_10, %scan3A_9 : i32
      %add3A_12 = arith.addi %add3A, %mul3A_11 : i32
      %lt3A = arith.constant 2500 : i32
      %lt3A_13 = arith.cmpi slt, %add3A_12, %lt3A : i32
      %convert_element_type3A = arith.extui %lt3A_13 : i1 to i32
      %cond3A = arith.constant 0 : i32
      %cond3A_14 = arith.cmpi ne, %convert_element_type3A, %cond3A : i32
      scf.if %cond3A_14 {
        %mul3A_15 = arith.constant 128 : i32
        %mul3A_16 = arith.muli %add3A_12, %mul3A_15 : i32
        "tpu.region"() ({
          %run_scoped3A = tpu.sem_alloc : memref<!tpu.dma_semaphore, #tpu.memory_space<semaphore_mem>>
          %dma_start3A_21 = tpu.memref_slice %arg3[%mul3A_16] : memref<320000xi32, #tpu.memory_space<hbm>> -> memref<128xi32, #tpu.memory_space<hbm>>
          %dma_start3A_22 = tpu.memref_slice %arg3[%mul3A_16] : memref<320000xi32, #tpu.memory_space<hbm>> -> memref<128xi32, #tpu.memory_space<hbm>>
          tpu.enqueue_dma source(%dma_start3A_22 : memref<128xi32, #tpu.memory_space<hbm>>) target(%arg8 : memref<128xi32, #tpu.memory_space<vmem>>) target_semaphore(%run_scoped3A : memref<!tpu.dma_semaphore, #tpu.memory_space<semaphore_mem>>)
          %dma_wait3A_23 = tpu.memref_slice %arg3[%mul3A_16] : memref<320000xi32, #tpu.memory_space<hbm>> -> memref<128xi32, #tpu.memory_space<hbm>>
          %dma_wait3A_24 = tpu.memref_slice %arg3[%mul3A_16] : memref<320000xi32, #tpu.memory_space<hbm>> -> memref<128xi32, #tpu.memory_space<hbm>>
          tpu.wait_dma2 semaphore(%run_scoped3A : memref<!tpu.dma_semaphore, #tpu.memory_space<semaphore_mem>>) src(%dma_wait3A_24 : memref<128xi32, #tpu.memory_space<hbm>>) dst(%arg8 : memref<128xi32, #tpu.memory_space<vmem>>)
          tpu.yield
        }) : () -> ()
        "tpu.region"() ({
          %run_scoped3A = tpu.sem_alloc : memref<!tpu.dma_semaphore, #tpu.memory_space<semaphore_mem>>
          %dma_start3A_21 = tpu.memref_slice %arg4[%mul3A_16] : memref<320000xi32, #tpu.memory_space<hbm>> -> memref<128xi32, #tpu.memory_space<hbm>>
          %dma_start3A_22 = tpu.memref_slice %arg4[%mul3A_16] : memref<320000xi32, #tpu.memory_space<hbm>> -> memref<128xi32, #tpu.memory_space<hbm>>
          tpu.enqueue_dma source(%dma_start3A_22 : memref<128xi32, #tpu.memory_space<hbm>>) target(%arg9 : memref<128xi32, #tpu.memory_space<vmem>>) target_semaphore(%run_scoped3A : memref<!tpu.dma_semaphore, #tpu.memory_space<semaphore_mem>>)
          %dma_wait3A_23 = tpu.memref_slice %arg4[%mul3A_16] : memref<320000xi32, #tpu.memory_space<hbm>> -> memref<128xi32, #tpu.memory_space<hbm>>
          %dma_wait3A_24 = tpu.memref_slice %arg4[%mul3A_16] : memref<320000xi32, #tpu.memory_space<hbm>> -> memref<128xi32, #tpu.memory_space<hbm>>
          tpu.wait_dma2 semaphore(%run_scoped3A : memref<!tpu.dma_semaphore, #tpu.memory_space<semaphore_mem>>) src(%dma_wait3A_24 : memref<128xi32, #tpu.memory_space<hbm>>) dst(%arg9 : memref<128xi32, #tpu.memory_space<vmem>>)
          tpu.yield
        }) : () -> ()
        %dma_start3A = arith.constant 0 : i32
        %dma_start3A_17 = arith.constant 0 : i32
        %dma_start3A_18 = tpu.memref_slice %arg2[%dma_start3A, %dma_start3A_17] : memref<10000x128xf32, #tpu.memory_space<hbm>> -> memref<10000x128xf32, #tpu.memory_space<hbm>>
        tpu.enqueue_indirect_dma source(%dma_start3A_18 : memref<10000x128xf32, #tpu.memory_space<hbm>>) target(%arg10 : memref<128x128xf32, #tpu.memory_space<vmem>>) offsets(%arg8 : memref<128xi32, #tpu.memory_space<vmem>>) semaphore(%arg11 : memref<!tpu.dma_semaphore, #tpu.memory_space<semaphore_mem>>)
        %dma_wait3A = arith.constant 0 : i32
        %dma_wait3A_19 = arith.constant 0 : i32
        %dma_wait3A_20 = tpu.memref_slice %arg2[%dma_wait3A, %dma_wait3A_19] : memref<10000x128xf32, #tpu.memory_space<hbm>> -> memref<10000x128xf32, #tpu.memory_space<hbm>>
        tpu.wait_indirect_dma semaphore(%arg11 : memref<!tpu.dma_semaphore, #tpu.memory_space<semaphore_mem>>) src(%dma_wait3A_20 : memref<10000x128xf32, #tpu.memory_space<hbm>>) dst(%arg10 : memref<128x128xf32, #tpu.memory_space<vmem>>)
        "tpu.region"() ({
          %run_scoped3A = tpu.sem_alloc : memref<!tpu.dma_semaphore, #tpu.memory_space<semaphore_mem>>
          %dma_start3A_21 = arith.constant 0 : i32
          %dma_start3A_22 = arith.constant 0 : i32
          %dma_start3A_23 = tpu.memref_slice %arg7[%dma_start3A_21, %dma_start3A_22] : memref<10240x128xf32, #tpu.memory_space<vmem_shared>> -> memref<10240x128xf32, #tpu.memory_space<vmem_shared>>
          tpu.enqueue_indirect_dma source(%arg10 : memref<128x128xf32, #tpu.memory_space<vmem>>) target(%dma_start3A_23 : memref<10240x128xf32, #tpu.memory_space<vmem_shared>>) offsets(%arg9 : memref<128xi32, #tpu.memory_space<vmem>>) semaphore(%run_scoped3A : memref<!tpu.dma_semaphore, #tpu.memory_space<semaphore_mem>>) {add = true}
          %dma_wait3A_24 = arith.constant 0 : i32
          %dma_wait3A_25 = arith.constant 0 : i32
          %dma_wait3A_26 = tpu.memref_slice %arg7[%dma_wait3A_24, %dma_wait3A_25] : memref<10240x128xf32, #tpu.memory_space<vmem_shared>> -> memref<10240x128xf32, #tpu.memory_space<vmem_shared>>
          tpu.wait_indirect_dma semaphore(%run_scoped3A : memref<!tpu.dma_semaphore, #tpu.memory_space<semaphore_mem>>) src(%arg10 : memref<128x128xf32, #tpu.memory_space<vmem>>) dst(%dma_wait3A_26 : memref<10240x128xf32, #tpu.memory_space<vmem_shared>>)
          tpu.yield
        }) : () -> ()
      } else {
      }
    }
    %scan3A_7 = arith.constant 79 : i32
    %barrier3A_8 = arith.constant 0 : index
    tpu.barrier barrier_id(%barrier3A_8)
    "tpu.region"() ({
      %run_scoped3A = tpu.sem_alloc : memref<!tpu.dma_semaphore, #tpu.memory_space<semaphore_mem>>
      %dma_start3A = arith.constant 0 : i32
      %dma_start3A_9 = tpu.memref_slice %arg6[%arg0, %mul3A_2, %dma_start3A] : memref<2x10240x128xf32, #tpu.memory_space<hbm>> -> memref<1x640x128xf32, #tpu.memory_space<hbm>>
      %dma_start3A_10 = tpu.memref_squeeze %dma_start3A_9 : memref<1x640x128xf32, #tpu.memory_space<hbm>> -> memref<640x128xf32, #tpu.memory_space<hbm>>
      %dma_start3A_11 = arith.constant 0 : i32
      %dma_start3A_12 = tpu.memref_slice %arg7[%mul3A_2, %dma_start3A_11] : memref<10240x128xf32, #tpu.memory_space<vmem_shared>> -> memref<640x128xf32, #tpu.memory_space<vmem_shared>>
      tpu.enqueue_dma source(%dma_start3A_12 : memref<640x128xf32, #tpu.memory_space<vmem_shared>>) target(%dma_start3A_10 : memref<640x128xf32, #tpu.memory_space<hbm>>) target_semaphore(%run_scoped3A : memref<!tpu.dma_semaphore, #tpu.memory_space<semaphore_mem>>)
      %dma_wait3A = arith.constant 0 : i32
      %dma_wait3A_13 = tpu.memref_slice %arg6[%arg0, %mul3A_2, %dma_wait3A] : memref<2x10240x128xf32, #tpu.memory_space<hbm>> -> memref<1x640x128xf32, #tpu.memory_space<hbm>>
      %dma_wait3A_14 = tpu.memref_squeeze %dma_wait3A_13 : memref<1x640x128xf32, #tpu.memory_space<hbm>> -> memref<640x128xf32, #tpu.memory_space<hbm>>
      %dma_wait3A_15 = arith.constant 0 : i32
      %dma_wait3A_16 = tpu.memref_slice %arg7[%mul3A_2, %dma_wait3A_15] : memref<10240x128xf32, #tpu.memory_space<vmem_shared>> -> memref<640x128xf32, #tpu.memory_space<vmem_shared>>
      tpu.wait_dma2 semaphore(%run_scoped3A : memref<!tpu.dma_semaphore, #tpu.memory_space<semaphore_mem>>) src(%dma_wait3A_16 : memref<640x128xf32, #tpu.memory_space<vmem_shared>>) dst(%dma_wait3A_14 : memref<640x128xf32, #tpu.memory_space<hbm>>)
      tpu.yield
    }) : () -> ()
    return
  }
}

#map = affine_map<(d0, d1) -> (0, 0)>
#map1 = affine_map<(d0, d1) -> (0)>
#map2 = affine_map<(d0, d1) -> (0, 0, 0)>
module attributes {stable_mosaic.version = 14 : i64} {
  func.func @_sc_agg(%arg0: i32, %arg1: i32, %arg2: memref<10000x128xf32, #tpu.memory_space<hbm>>, %arg3: memref<320000xi32, #tpu.memory_space<hbm>>, %arg4: memref<320000xi32, #tpu.memory_space<hbm>>, %arg5: memref<640x128xf32, #tpu.memory_space<hbm>>, %arg6: memref<2x10240x128xf32, #tpu.memory_space<hbm>>, %arg7: memref<10240x128xf32, #tpu.memory_space<vmem_shared>>, %arg8: memref<128xi32, #tpu.memory_space<vmem>>, %arg9: memref<128xi32, #tpu.memory_space<vmem>>, %arg10: memref<128x128xf32, #tpu.memory_space<vmem>>, %arg11: memref<!tpu.dma_semaphore, #tpu.memory_space<semaphore_mem>>) attributes {dimension_semantics = [#tpu.dimension_semantics<core_parallel>, #tpu.dimension_semantics<subcore_parallel>], iteration_bounds = array<i64: 2, 16>, scalar_prefetch = 0 : i64, scratch_operands = 5 : i64, tpu.core_type = #tpu.core_type<sc_vector_subcore>, window_params = [{transform_indices = #map}, {transform_indices = #map1}, {transform_indices = #map1}, {transform_indices = #map}, {transform_indices = #map2}]} {
    %mul3A = arith.constant 2 : i32
    %mul3A_0 = arith.muli %arg1, %mul3A : i32
    %add3A = arith.addi %mul3A_0, %arg0 : i32
    %mul3A_1 = arith.constant 640 : i32
    %mul3A_2 = arith.muli %arg1, %mul3A_1 : i32
    "tpu.region"() ({
      %run_scoped3A = tpu.sem_alloc : memref<!tpu.dma_semaphore, #tpu.memory_space<semaphore_mem>>
      %dma_start3A = arith.constant 0 : i32
      %dma_start3A_9 = tpu.memref_slice %arg7[%mul3A_2, %dma_start3A] : memref<10240x128xf32, #tpu.memory_space<vmem_shared>> -> memref<640x128xf32, #tpu.memory_space<vmem_shared>>
      tpu.enqueue_dma source(%arg5 : memref<640x128xf32, #tpu.memory_space<hbm>>) target(%dma_start3A_9 : memref<640x128xf32, #tpu.memory_space<vmem_shared>>) target_semaphore(%run_scoped3A : memref<!tpu.dma_semaphore, #tpu.memory_space<semaphore_mem>>)
      %dma_wait3A = arith.constant 0 : i32
      %dma_wait3A_10 = tpu.memref_slice %arg7[%mul3A_2, %dma_wait3A] : memref<10240x128xf32, #tpu.memory_space<vmem_shared>> -> memref<640x128xf32, #tpu.memory_space<vmem_shared>>
      tpu.wait_dma2 semaphore(%run_scoped3A : memref<!tpu.dma_semaphore, #tpu.memory_space<semaphore_mem>>) src(%arg5 : memref<640x128xf32, #tpu.memory_space<hbm>>) dst(%dma_wait3A_10 : memref<640x128xf32, #tpu.memory_space<vmem_shared>>)
      tpu.yield
    }) : () -> ()
    %barrier3A = arith.constant 0 : index
    tpu.barrier barrier_id(%barrier3A)
    %scan3A = arith.constant 0 : i32
    %scan3A_3 = arith.constant 0 : i32
    %scan3A_4 = arith.constant 79 : i32
    %scan3A_5 = arith.addi %scan3A_3, %scan3A_4 : i32
    %scan3A_6 = arith.constant 1 : i32
    scf.for %scan3A_9 = %scan3A_3 to %scan3A_5 step %scan3A_6  : i32 {
      %mul3A_10 = arith.constant 32 : i32
      %mul3A_11 = arith.muli %mul3A_10, %scan3A_9 : i32
      %add3A_12 = arith.addi %add3A, %mul3A_11 : i32
      %lt3A = arith.constant 2500 : i32
      %lt3A_13 = arith.cmpi slt, %add3A_12, %lt3A : i32
      %convert_element_type3A = arith.extui %lt3A_13 : i1 to i32
      %cond3A = arith.constant 0 : i32
      %cond3A_14 = arith.cmpi ne, %convert_element_type3A, %cond3A : i32
      scf.if %cond3A_14 {
        %mul3A_15 = arith.constant 128 : i32
        %mul3A_16 = arith.muli %add3A_12, %mul3A_15 : i32
        "tpu.region"() ({
          %run_scoped3A = tpu.sem_alloc : memref<!tpu.dma_semaphore, #tpu.memory_space<semaphore_mem>>
          %dma_start3A_21 = tpu.memref_slice %arg3[%mul3A_16] : memref<320000xi32, #tpu.memory_space<hbm>> -> memref<128xi32, #tpu.memory_space<hbm>>
          %dma_start3A_22 = tpu.memref_slice %arg3[%mul3A_16] : memref<320000xi32, #tpu.memory_space<hbm>> -> memref<128xi32, #tpu.memory_space<hbm>>
          tpu.enqueue_dma source(%dma_start3A_22 : memref<128xi32, #tpu.memory_space<hbm>>) target(%arg8 : memref<128xi32, #tpu.memory_space<vmem>>) target_semaphore(%run_scoped3A : memref<!tpu.dma_semaphore, #tpu.memory_space<semaphore_mem>>)
          %dma_wait3A_23 = tpu.memref_slice %arg3[%mul3A_16] : memref<320000xi32, #tpu.memory_space<hbm>> -> memref<128xi32, #tpu.memory_space<hbm>>
          %dma_wait3A_24 = tpu.memref_slice %arg3[%mul3A_16] : memref<320000xi32, #tpu.memory_space<hbm>> -> memref<128xi32, #tpu.memory_space<hbm>>
          tpu.wait_dma2 semaphore(%run_scoped3A : memref<!tpu.dma_semaphore, #tpu.memory_space<semaphore_mem>>) src(%dma_wait3A_24 : memref<128xi32, #tpu.memory_space<hbm>>) dst(%arg8 : memref<128xi32, #tpu.memory_space<vmem>>)
          tpu.yield
        }) : () -> ()
        "tpu.region"() ({
          %run_scoped3A = tpu.sem_alloc : memref<!tpu.dma_semaphore, #tpu.memory_space<semaphore_mem>>
          %dma_start3A_21 = tpu.memref_slice %arg4[%mul3A_16] : memref<320000xi32, #tpu.memory_space<hbm>> -> memref<128xi32, #tpu.memory_space<hbm>>
          %dma_start3A_22 = tpu.memref_slice %arg4[%mul3A_16] : memref<320000xi32, #tpu.memory_space<hbm>> -> memref<128xi32, #tpu.memory_space<hbm>>
          tpu.enqueue_dma source(%dma_start3A_22 : memref<128xi32, #tpu.memory_space<hbm>>) target(%arg9 : memref<128xi32, #tpu.memory_space<vmem>>) target_semaphore(%run_scoped3A : memref<!tpu.dma_semaphore, #tpu.memory_space<semaphore_mem>>)
          %dma_wait3A_23 = tpu.memref_slice %arg4[%mul3A_16] : memref<320000xi32, #tpu.memory_space<hbm>> -> memref<128xi32, #tpu.memory_space<hbm>>
          %dma_wait3A_24 = tpu.memref_slice %arg4[%mul3A_16] : memref<320000xi32, #tpu.memory_space<hbm>> -> memref<128xi32, #tpu.memory_space<hbm>>
          tpu.wait_dma2 semaphore(%run_scoped3A : memref<!tpu.dma_semaphore, #tpu.memory_space<semaphore_mem>>) src(%dma_wait3A_24 : memref<128xi32, #tpu.memory_space<hbm>>) dst(%arg9 : memref<128xi32, #tpu.memory_space<vmem>>)
          tpu.yield
        }) : () -> ()
        %dma_start3A = arith.constant 0 : i32
        %dma_start3A_17 = arith.constant 0 : i32
        %dma_start3A_18 = tpu.memref_slice %arg2[%dma_start3A, %dma_start3A_17] : memref<10000x128xf32, #tpu.memory_space<hbm>> -> memref<10000x128xf32, #tpu.memory_space<hbm>>
        tpu.enqueue_indirect_dma source(%dma_start3A_18 : memref<10000x128xf32, #tpu.memory_space<hbm>>) target(%arg10 : memref<128x128xf32, #tpu.memory_space<vmem>>) offsets(%arg8 : memref<128xi32, #tpu.memory_space<vmem>>) semaphore(%arg11 : memref<!tpu.dma_semaphore, #tpu.memory_space<semaphore_mem>>)
        %dma_wait3A = arith.constant 0 : i32
        %dma_wait3A_19 = arith.constant 0 : i32
        %dma_wait3A_20 = tpu.memref_slice %arg2[%dma_wait3A, %dma_wait3A_19] : memref<10000x128xf32, #tpu.memory_space<hbm>> -> memref<10000x128xf32, #tpu.memory_space<hbm>>
        tpu.wait_indirect_dma semaphore(%arg11 : memref<!tpu.dma_semaphore, #tpu.memory_space<semaphore_mem>>) src(%dma_wait3A_20 : memref<10000x128xf32, #tpu.memory_space<hbm>>) dst(%arg10 : memref<128x128xf32, #tpu.memory_space<vmem>>)
        "tpu.region"() ({
          %run_scoped3A = tpu.sem_alloc : memref<!tpu.dma_semaphore, #tpu.memory_space<semaphore_mem>>
          %dma_start3A_21 = arith.constant 0 : i32
          %dma_start3A_22 = arith.constant 0 : i32
          %dma_start3A_23 = tpu.memref_slice %arg7[%dma_start3A_21, %dma_start3A_22] : memref<10240x128xf32, #tpu.memory_space<vmem_shared>> -> memref<10240x128xf32, #tpu.memory_space<vmem_shared>>
          tpu.enqueue_indirect_dma source(%arg10 : memref<128x128xf32, #tpu.memory_space<vmem>>) target(%dma_start3A_23 : memref<10240x128xf32, #tpu.memory_space<vmem_shared>>) offsets(%arg9 : memref<128xi32, #tpu.memory_space<vmem>>) semaphore(%run_scoped3A : memref<!tpu.dma_semaphore, #tpu.memory_space<semaphore_mem>>) {add = true}
          %dma_wait3A_24 = arith.constant 0 : i32
          %dma_wait3A_25 = arith.constant 0 : i32
          %dma_wait3A_26 = tpu.memref_slice %arg7[%dma_wait3A_24, %dma_wait3A_25] : memref<10240x128xf32, #tpu.memory_space<vmem_shared>> -> memref<10240x128xf32, #tpu.memory_space<vmem_shared>>
          tpu.wait_indirect_dma semaphore(%run_scoped3A : memref<!tpu.dma_semaphore, #tpu.memory_space<semaphore_mem>>) src(%arg10 : memref<128x128xf32, #tpu.memory_space<vmem>>) dst(%dma_wait3A_26 : memref<10240x128xf32, #tpu.memory_space<vmem_shared>>)
          tpu.yield
        }) : () -> ()
      } else {
      }
    }
    %scan3A_7 = arith.constant 79 : i32
    %barrier3A_8 = arith.constant 0 : index
    tpu.barrier barrier_id(%barrier3A_8)
    "tpu.region"() ({
      %run_scoped3A = tpu.sem_alloc : memref<!tpu.dma_semaphore, #tpu.memory_space<semaphore_mem>>
      %dma_start3A = arith.constant 0 : i32
      %dma_start3A_9 = tpu.memref_slice %arg6[%arg0, %mul3A_2, %dma_start3A] : memref<2x10240x128xf32, #tpu.memory_space<hbm>> -> memref<1x640x128xf32, #tpu.memory_space<hbm>>
      %dma_start3A_10 = tpu.memref_squeeze %dma_start3A_9 : memref<1x640x128xf32, #tpu.memory_space<hbm>> -> memref<640x128xf32, #tpu.memory_space<hbm>>
      %dma_start3A_11 = arith.constant 0 : i32
      %dma_start3A_12 = tpu.memref_slice %arg7[%mul3A_2, %dma_start3A_11] : memref<10240x128xf32, #tpu.memory_space<vmem_shared>> -> memref<640x128xf32, #tpu.memory_space<vmem_shared>>
      tpu.enqueue_dma source(%dma_start3A_12 : memref<640x128xf32, #tpu.memory_space<vmem_shared>>) target(%dma_start3A_10 : memref<640x128xf32, #tpu.memory_space<hbm>>) target_semaphore(%run_scoped3A : memref<!tpu.dma_semaphore, #tpu.memory_space<semaphore_mem>>)
      %dma_wait3A = arith.constant 0 : i32
      %dma_wait3A_13 = tpu.memref_slice %arg6[%arg0, %mul3A_2, %dma_wait3A] : memref<2x10240x128xf32, #tpu.memory_space<hbm>> -> memref<1x640x128xf32, #tpu.memory_space<hbm>>
      %dma_wait3A_14 = tpu.memref_squeeze %dma_wait3A_13 : memref<1x640x128xf32, #tpu.memory_space<hbm>> -> memref<640x128xf32, #tpu.memory_space<hbm>>
      %dma_wait3A_15 = arith.constant 0 : i32
      %dma_wait3A_16 = tpu.memref_slice %arg7[%mul3A_2, %dma_wait3A_15] : memref<10240x128xf32, #tpu.memory_space<vmem_shared>> -> memref<640x128xf32, #tpu.memory_space<vmem_shared>>
      tpu.wait_dma2 semaphore(%run_scoped3A : memref<!tpu.dma_semaphore, #tpu.memory_space<semaphore_mem>>) src(%dma_wait3A_16 : memref<640x128xf32, #tpu.memory_space<vmem_shared>>) dst(%dma_wait3A_14 : memref<640x128xf32, #tpu.memory_space<hbm>>)
      tpu.yield
    }) : () -> ()
    return
  }
}

module attributes {stable_mosaic.version = 14 : i64} {
  func.func @_layer_body(%arg0: i32, %arg1: memref<1xf32, #tpu.memory_space<smem>>, %arg2: memref<1x1x2000xi32, #tpu.memory_space<vmem>>, %arg3: memref<2000x128xf32, #tpu.memory_space<vmem>>, %arg4: memref<2x2000x128xf32, #tpu.memory_space<vmem>>, %arg5: memref<128x128xf32, #tpu.memory_space<vmem>>, %arg6: memref<1x128xf32, #tpu.memory_space<vmem>>, %arg7: memref<128x128xf32, #tpu.memory_space<vmem>>, %arg8: memref<1x128xf32, #tpu.memory_space<vmem>>, %arg9: memref<2000x128xf32, #tpu.memory_space<vmem>>, %arg10: memref<64x128xf32, #tpu.memory_space<vmem>>, %arg11: memref<64x128xf32, #tpu.memory_space<vmem>>) attributes {dimension_semantics = [#tpu.dimension_semantics<arbitrary>], iteration_bounds = array<i64: 5>, scalar_prefetch = 0 : i64, scratch_operands = 1 : i64, tpu.core_type = #tpu.core_type<tc>, window_params = [{transform_indices = @transform_0, window_bounds = array<i64: 1>}, {transform_indices = @transform_1, window_bounds = array<i64: 1, 1, 2000>}, {transform_indices = @transform_2, window_bounds = array<i64: 2000, 128>}, {transform_indices = @transform_3, window_bounds = array<i64: 2, 2000, 128>}, {pipeline_mode = #tpu.pipeline_mode<synchronous>, transform_indices = @transform_4, window_bounds = array<i64: 128, 128>}, {pipeline_mode = #tpu.pipeline_mode<synchronous>, transform_indices = @transform_5, window_bounds = array<i64: 1, 128>}, {pipeline_mode = #tpu.pipeline_mode<synchronous>, transform_indices = @transform_6, window_bounds = array<i64: 128, 128>}, {pipeline_mode = #tpu.pipeline_mode<synchronous>, transform_indices = @transform_7, window_bounds = array<i64: 1, 128>}, {transform_indices = @transform_8, window_bounds = array<i64: 2000, 128>}, {pipeline_mode = #tpu.pipeline_mode<synchronous>, transform_indices = @transform_9, window_bounds = array<i64: 64, 128>}]} {
    %get3A = arith.constant 0 : index
    %get3A_0 = memref.load %arg1[%get3A] : memref<1xf32, #tpu.memory_space<smem>>
    %get3A_1 = arith.constant 0 : index
    %get3A_2 = arith.constant 0 : index
    %get3A_3 = vector.load %arg3[%get3A_1, %get3A_2] : memref<2000x128xf32, #tpu.memory_space<vmem>>, vector<2000x128xf32>
    %mul3A = vector.broadcast %get3A_0 : f32 to vector<2000x128xf32>
    %mul3A_4 = arith.mulf %mul3A, %get3A_3 : vector<2000x128xf32>
    %get3A_5 = arith.constant 0 : index
    %get3A_6 = arith.constant 0 : index
    %get3A_7 = arith.constant 0 : index
    %get3A_8 = vector.load %arg4[%get3A_5, %get3A_6, %get3A_7] : memref<2x2000x128xf32, #tpu.memory_space<vmem>>, vector<1x2000x128xf32>
    %get3A_9 = vector.shape_cast %get3A_8 : vector<1x2000x128xf32> to vector<2000x128xf32>
    %add3A = arith.addf %mul3A_4, %get3A_9 : vector<2000x128xf32>
    %get3A_10 = arith.constant 1 : index
    %get3A_11 = arith.constant 0 : index
    %get3A_12 = arith.constant 0 : index
    %get3A_13 = vector.load %arg4[%get3A_10, %get3A_11, %get3A_12] : memref<2x2000x128xf32, #tpu.memory_space<vmem>>, vector<1x2000x128xf32>
    %get3A_14 = vector.shape_cast %get3A_13 : vector<1x2000x128xf32> to vector<2000x128xf32>
    %add3A_15 = arith.addf %add3A, %get3A_14 : vector<2000x128xf32>
    %get3A_16 = arith.constant 0 : index
    %get3A_17 = arith.constant 0 : index
    %get3A_18 = vector.load %arg5[%get3A_16, %get3A_17] : memref<128x128xf32, #tpu.memory_space<vmem>>, vector<128x128xf32>
    %dot_general3A = arith.constant dense<0.000000e+00> : vector<2000x128xf32>
    %dot_general3A_19 = tpu.matmul %add3A_15, %get3A_18, %dot_general3A {dimension_numbers = #tpu.dot_dimension_numbers<[1], [0], [0], [1], [0, 0, 1, 1], [], []>, transpose_lhs_hint = false} : vector<2000x128xf32>, vector<128x128xf32>, vector<2000x128xf32> -> vector<2000x128xf32>
    %get3A_20 = arith.constant 0 : index
    %get3A_21 = arith.constant 0 : index
    %get3A_22 = vector.load %arg6[%get3A_20, %get3A_21] : memref<1x128xf32, #tpu.memory_space<vmem>>, vector<1x128xf32>
    %add3A_23 = vector.broadcast %get3A_22 : vector<1x128xf32> to vector<2000x128xf32>
    %add3A_24 = arith.addf %dot_general3A_19, %add3A_23 : vector<2000x128xf32>
    %max3A = arith.constant 0.000000e+00 : f32
    %max3A_25 = vector.broadcast %max3A : f32 to vector<2000x128xf32>
    %max3A_26 = arith.maximumf %add3A_24, %max3A_25 : vector<2000x128xf32>
    %get3A_27 = arith.constant 0 : index
    %get3A_28 = arith.constant 0 : index
    %get3A_29 = vector.load %arg7[%get3A_27, %get3A_28] : memref<128x128xf32, #tpu.memory_space<vmem>>, vector<128x128xf32>
    %dot_general3A_30 = arith.constant dense<0.000000e+00> : vector<2000x128xf32>
    %dot_general3A_31 = tpu.matmul %max3A_26, %get3A_29, %dot_general3A_30 {dimension_numbers = #tpu.dot_dimension_numbers<[1], [0], [0], [1], [0, 0, 1, 1], [], []>, transpose_lhs_hint = false} : vector<2000x128xf32>, vector<128x128xf32>, vector<2000x128xf32> -> vector<2000x128xf32>
    %get3A_32 = arith.constant 0 : index
    %get3A_33 = arith.constant 0 : index
    %get3A_34 = vector.load %arg8[%get3A_32, %get3A_33] : memref<1x128xf32, #tpu.memory_space<vmem>>, vector<1x128xf32>
    %add3A_35 = vector.broadcast %get3A_34 : vector<1x128xf32> to vector<2000x128xf32>
    %add3A_36 = arith.addf %dot_general3A_31, %add3A_35 : vector<2000x128xf32>
    %max3A_37 = arith.constant 0.000000e+00 : f32
    %max3A_38 = vector.broadcast %max3A_37 : f32 to vector<2000x128xf32>
    %max3A_39 = arith.maximumf %add3A_36, %max3A_38 : vector<2000x128xf32>
    %swap3A = arith.constant 0 : index
    %swap3A_40 = arith.constant 0 : index
    %swap3A_41 = vector.load %arg9[%swap3A, %swap3A_40] : memref<2000x128xf32, #tpu.memory_space<vmem>>, vector<2000x128xf32>
    tpu.vector_store %arg9[%swap3A, %swap3A_40], %max3A_39 {strides = array<i32>} : memref<2000x128xf32, #tpu.memory_space<vmem>>, vector<2000x128xf32>,
    %get3A_42 = arith.constant 0 : index
    %get3A_43 = arith.constant 0 : index
    %get3A_44 = arith.constant 0 : index
    %get3A_45 = vector.load %arg2[%get3A_42, %get3A_43, %get3A_44] : memref<1x1x2000xi32, #tpu.memory_space<vmem>>, vector<1x1x2000xi32>
    %get3A_46 = vector.shape_cast %get3A_45 : vector<1x1x2000xi32> to vector<2000xi32>
    %iota3A = tpu.iota {dimensions = array<i32: 0>} : vector<64x2000xi32>
    %broadcast_in_dim3A = vector.shape_cast %get3A_46 : vector<2000xi32> to vector<1x2000xi32>
    %eq3A = vector.broadcast %broadcast_in_dim3A : vector<1x2000xi32> to vector<64x2000xi32>
    %eq3A_47 = arith.cmpi eq, %iota3A, %eq3A : vector<64x2000xi32>
    %convert_element_type3A = arith.extui %eq3A_47 : vector<64x2000xi1> to vector<64x2000xi32>
    %convert_element_type3A_48 = arith.sitofp %convert_element_type3A : vector<64x2000xi32> to vector<64x2000xf32>
    %dot_general3A_49 = arith.constant dense<0.000000e+00> : vector<64x128xf32>
    %dot_general3A_50 = tpu.matmul %convert_element_type3A_48, %max3A_39, %dot_general3A_49 {dimension_numbers = #tpu.dot_dimension_numbers<[1], [0], [0], [1], [0, 0, 1, 1], [], []>, transpose_lhs_hint = false} : vector<64x2000xf32>, vector<2000x128xf32>, vector<64x128xf32> -> vector<64x128xf32>
    %eq3A_51 = arith.constant 0 : i32
    %eq3A_52 = arith.cmpi eq, %arg0, %eq3A_51 : i32
    %convert_element_type3A_53 = arith.extui %eq3A_52 : i1 to i32
    %cond3A = arith.constant 0 : i32
    %cond3A_54 = arith.cmpi ne, %convert_element_type3A_53, %cond3A : i32
    scf.if %cond3A_54 {
      %swap3A_64 = arith.constant 0 : index
      %swap3A_65 = arith.constant 0 : index
      %swap3A_66 = vector.load %arg11[%swap3A_64, %swap3A_65] : memref<64x128xf32, #tpu.memory_space<vmem>>, vector<64x128xf32>
      tpu.vector_store %arg11[%swap3A_64, %swap3A_65], %dot_general3A_50 {strides = array<i32>} : memref<64x128xf32, #tpu.memory_space<vmem>>, vector<64x128xf32>,
    } else {
    }
    %gt3A = arith.constant 0 : i32
    %gt3A_55 = arith.cmpi sgt, %arg0, %gt3A : i32
    %convert_element_type3A_56 = arith.extui %gt3A_55 : i1 to i32
    %cond3A_57 = arith.constant 0 : i32
    %cond3A_58 = arith.cmpi ne, %convert_element_type3A_56, %cond3A_57 : i32
    scf.if %cond3A_58 {
      %get3A_64 = arith.constant 0 : index
      %get3A_65 = arith.constant 0 : index
      %get3A_66 = vector.load %arg11[%get3A_64, %get3A_65] : memref<64x128xf32, #tpu.memory_space<vmem>>, vector<64x128xf32>
      %add3A_67 = arith.addf %get3A_66, %dot_general3A_50 : vector<64x128xf32>
      %swap3A_68 = arith.constant 0 : index
      %swap3A_69 = arith.constant 0 : index
      %swap3A_70 = vector.load %arg11[%swap3A_68, %swap3A_69] : memref<64x128xf32, #tpu.memory_space<vmem>>, vector<64x128xf32>
      tpu.vector_store %arg11[%swap3A_68, %swap3A_69], %add3A_67 {strides = array<i32>} : memref<64x128xf32, #tpu.memory_space<vmem>>, vector<64x128xf32>,
    } else {
    }
    %eq3A_59 = arith.constant 4 : i32
    %eq3A_60 = arith.cmpi eq, %arg0, %eq3A_59 : i32
    %convert_element_type3A_61 = arith.extui %eq3A_60 : i1 to i32
    %cond3A_62 = arith.constant 0 : i32
    %cond3A_63 = arith.cmpi ne, %convert_element_type3A_61, %cond3A_62 : i32
    scf.if %cond3A_63 {
      %get3A_64 = arith.constant 0 : index
      %get3A_65 = arith.constant 0 : index
      %get3A_66 = vector.load %arg11[%get3A_64, %get3A_65] : memref<64x128xf32, #tpu.memory_space<vmem>>, vector<64x128xf32>
      %swap3A_67 = arith.constant 0 : index
      %swap3A_68 = arith.constant 0 : index
      %swap3A_69 = vector.load %arg10[%swap3A_67, %swap3A_68] : memref<64x128xf32, #tpu.memory_space<vmem>>, vector<64x128xf32>
      tpu.vector_store %arg10[%swap3A_67, %swap3A_68], %get3A_66 {strides = array<i32>} : memref<64x128xf32, #tpu.memory_space<vmem>>, vector<64x128xf32>,
    } else {
    }
    return
  }
  func.func @transform_0(%arg0: i32) -> i32 {
    %c0_i32 = arith.constant 0 : i32
    %c0_i32_0 = arith.constant 0 : i32
    return %c0_i32 : i32
  }
  func.func @transform_1(%arg0: i32) -> (i32, i32, i32) {
    %c0_i32 = arith.constant 0 : i32
    %c0_i32_0 = arith.constant 0 : i32
    %c0_i32_1 = arith.constant 0 : i32
    return %arg0, %c0_i32, %c0_i32_0 : i32, i32, i32
  }
  func.func @transform_2(%arg0: i32) -> (i32, i32) {
    %c0_i32 = arith.constant 0 : i32
    %c0_i32_0 = arith.constant 0 : i32
    return %arg0, %c0_i32 : i32, i32
  }
  func.func @transform_3(%arg0: i32) -> (i32, i32, i32) {
    %c0_i32 = arith.constant 0 : i32
    %c0_i32_0 = arith.constant 0 : i32
    %c0_i32_1 = arith.constant 0 : i32
    return %c0_i32, %arg0, %c0_i32_0 : i32, i32, i32
  }
  func.func @transform_4(%arg0: i32) -> (i32, i32) {
    %c0_i32 = arith.constant 0 : i32
    %c0_i32_0 = arith.constant 0 : i32
    %c0_i32_1 = arith.constant 0 : i32
    return %c0_i32, %c0_i32_0 : i32, i32
  }
  func.func @transform_5(%arg0: i32) -> (i32, i32) {
    %c0_i32 = arith.constant 0 : i32
    %c0_i32_0 = arith.constant 0 : i32
    %c0_i32_1 = arith.constant 0 : i32
    return %c0_i32, %c0_i32_0 : i32, i32
  }
  func.func @transform_6(%arg0: i32) -> (i32, i32) {
    %c0_i32 = arith.constant 0 : i32
    %c0_i32_0 = arith.constant 0 : i32
    %c0_i32_1 = arith.constant 0 : i32
    return %c0_i32, %c0_i32_0 : i32, i32
  }
  func.func @transform_7(%arg0: i32) -> (i32, i32) {
    %c0_i32 = arith.constant 0 : i32
    %c0_i32_0 = arith.constant 0 : i32
    %c0_i32_1 = arith.constant 0 : i32
    return %c0_i32, %c0_i32_0 : i32, i32
  }
  func.func @transform_8(%arg0: i32) -> (i32, i32) {
    %c0_i32 = arith.constant 0 : i32
    %c0_i32_0 = arith.constant 0 : i32
    return %arg0, %c0_i32 : i32, i32
  }
  func.func @transform_9(%arg0: i32) -> (i32, i32) {
    %c0_i32 = arith.constant 0 : i32
    %c0_i32_0 = arith.constant 0 : i32
    %c0_i32_1 = arith.constant 0 : i32
    return %c0_i32, %c0_i32_0 : i32, i32
  }
}

module attributes {stable_mosaic.version = 14 : i64} {
  func.func @_readout_body(%arg0: memref<64x128xf32, #tpu.memory_space<vmem>>, %arg1: memref<64x128xf32, #tpu.memory_space<vmem>>, %arg2: memref<64x128xf32, #tpu.memory_space<vmem>>, %arg3: memref<384x128xf32, #tpu.memory_space<vmem>>, %arg4: memref<1x128xf32, #tpu.memory_space<vmem>>, %arg5: memref<128x64xf32, #tpu.memory_space<vmem>>, %arg6: memref<1x64xf32, #tpu.memory_space<vmem>>, %arg7: memref<64x64xf32, #tpu.memory_space<vmem>>) attributes {dimension_semantics = [], scalar_prefetch = 0 : i64, scratch_operands = 0 : i64, tpu.core_type = #tpu.core_type<tc>} {
    %get3A = arith.constant 0 : index
    %get3A_0 = arith.constant 0 : index
    %get3A_1 = vector.load %arg0[%get3A, %get3A_0] : memref<64x128xf32, #tpu.memory_space<vmem>>, vector<64x128xf32>
    %get3A_2 = arith.constant 0 : index
    %get3A_3 = arith.constant 0 : index
    %get3A_4 = vector.load %arg3[%get3A_2, %get3A_3] : memref<384x128xf32, #tpu.memory_space<vmem>>, vector<128x128xf32>
    %dot_general3A = arith.constant dense<0.000000e+00> : vector<64x128xf32>
    %dot_general3A_5 = tpu.matmul %get3A_1, %get3A_4, %dot_general3A {dimension_numbers = #tpu.dot_dimension_numbers<[1], [0], [0], [1], [0, 0, 1, 1], [], []>, transpose_lhs_hint = false} : vector<64x128xf32>, vector<128x128xf32>, vector<64x128xf32> -> vector<64x128xf32>
    %get3A_6 = arith.constant 0 : index
    %get3A_7 = arith.constant 0 : index
    %get3A_8 = vector.load %arg1[%get3A_6, %get3A_7] : memref<64x128xf32, #tpu.memory_space<vmem>>, vector<64x128xf32>
    %get3A_9 = arith.constant 128 : index
    %get3A_10 = arith.constant 0 : index
    %get3A_11 = vector.load %arg3[%get3A_9, %get3A_10] : memref<384x128xf32, #tpu.memory_space<vmem>>, vector<128x128xf32>
    %dot_general3A_12 = arith.constant dense<0.000000e+00> : vector<64x128xf32>
    %dot_general3A_13 = tpu.matmul %get3A_8, %get3A_11, %dot_general3A_12 {dimension_numbers = #tpu.dot_dimension_numbers<[1], [0], [0], [1], [0, 0, 1, 1], [], []>, transpose_lhs_hint = false} : vector<64x128xf32>, vector<128x128xf32>, vector<64x128xf32> -> vector<64x128xf32>
    %add3A = arith.addf %dot_general3A_5, %dot_general3A_13 : vector<64x128xf32>
    %get3A_14 = arith.constant 0 : index
    %get3A_15 = arith.constant 0 : index
    %get3A_16 = vector.load %arg2[%get3A_14, %get3A_15] : memref<64x128xf32, #tpu.memory_space<vmem>>, vector<64x128xf32>
    %get3A_17 = arith.constant 256 : index
    %get3A_18 = arith.constant 0 : index
    %get3A_19 = vector.load %arg3[%get3A_17, %get3A_18] : memref<384x128xf32, #tpu.memory_space<vmem>>, vector<128x128xf32>
    %dot_general3A_20 = arith.constant dense<0.000000e+00> : vector<64x128xf32>
    %dot_general3A_21 = tpu.matmul %get3A_16, %get3A_19, %dot_general3A_20 {dimension_numbers = #tpu.dot_dimension_numbers<[1], [0], [0], [1], [0, 0, 1, 1], [], []>, transpose_lhs_hint = false} : vector<64x128xf32>, vector<128x128xf32>, vector<64x128xf32> -> vector<64x128xf32>
    %add3A_22 = arith.addf %add3A, %dot_general3A_21 : vector<64x128xf32>
    %get3A_23 = arith.constant 0 : index
    %get3A_24 = arith.constant 0 : index
    %get3A_25 = vector.load %arg4[%get3A_23, %get3A_24] : memref<1x128xf32, #tpu.memory_space<vmem>>, vector<1x128xf32>
    %add3A_26 = vector.broadcast %get3A_25 : vector<1x128xf32> to vector<64x128xf32>
    %add3A_27 = arith.addf %add3A_22, %add3A_26 : vector<64x128xf32>
    %max3A = arith.constant 0.000000e+00 : f32
    %max3A_28 = vector.broadcast %max3A : f32 to vector<64x128xf32>
    %max3A_29 = arith.maximumf %add3A_27, %max3A_28 : vector<64x128xf32>
    %get3A_30 = arith.constant 0 : index
    %get3A_31 = arith.constant 0 : index
    %get3A_32 = vector.load %arg5[%get3A_30, %get3A_31] : memref<128x64xf32, #tpu.memory_space<vmem>>, vector<128x64xf32>
    %dot_general3A_33 = arith.constant dense<0.000000e+00> : vector<64x64xf32>
    %dot_general3A_34 = tpu.matmul %max3A_29, %get3A_32, %dot_general3A_33 {dimension_numbers = #tpu.dot_dimension_numbers<[1], [0], [0], [1], [0, 0, 1, 1], [], []>, transpose_lhs_hint = false} : vector<64x128xf32>, vector<128x64xf32>, vector<64x64xf32> -> vector<64x64xf32>
    %get3A_35 = arith.constant 0 : index
    %get3A_36 = arith.constant 0 : index
    %get3A_37 = vector.load %arg6[%get3A_35, %get3A_36] : memref<1x64xf32, #tpu.memory_space<vmem>>, vector<1x64xf32>
    %add3A_38 = vector.broadcast %get3A_37 : vector<1x64xf32> to vector<64x64xf32>
    %add3A_39 = arith.addf %dot_general3A_34, %add3A_38 : vector<64x64xf32>
    %swap3A = arith.constant 0 : index
    %swap3A_40 = arith.constant 0 : index
    %swap3A_41 = vector.load %arg7[%swap3A, %swap3A_40] : memref<64x64xf32, #tpu.memory_space<vmem>>, vector<64x64xf32>
    tpu.vector_store %arg7[%swap3A, %swap3A_40], %add3A_39 {strides = array<i32>} : memref<64x64xf32, #tpu.memory_space<vmem>>, vector<64x64xf32>,
    return
  }
}

module attributes {stable_mosaic.version = 14 : i64} {
  func.func @_layer_body(%arg0: i32, %arg1: memref<1xf32, #tpu.memory_space<smem>>, %arg2: memref<1x1x2000xi32, #tpu.memory_space<vmem>>, %arg3: memref<2000x128xf32, #tpu.memory_space<vmem>>, %arg4: memref<2x2000x128xf32, #tpu.memory_space<vmem>>, %arg5: memref<128x128xf32, #tpu.memory_space<vmem>>, %arg6: memref<1x128xf32, #tpu.memory_space<vmem>>, %arg7: memref<128x128xf32, #tpu.memory_space<vmem>>, %arg8: memref<1x128xf32, #tpu.memory_space<vmem>>, %arg9: memref<2000x128xf32, #tpu.memory_space<vmem>>, %arg10: memref<64x128xf32, #tpu.memory_space<vmem>>, %arg11: memref<64x128xf32, #tpu.memory_space<vmem>>) attributes {dimension_semantics = [#tpu.dimension_semantics<arbitrary>], iteration_bounds = array<i64: 5>, scalar_prefetch = 0 : i64, scratch_operands = 1 : i64, tpu.core_type = #tpu.core_type<tc>, window_params = [{transform_indices = @transform_0, window_bounds = array<i64: 1>}, {transform_indices = @transform_1, window_bounds = array<i64: 1, 1, 2000>}, {transform_indices = @transform_2, window_bounds = array<i64: 2000, 128>}, {transform_indices = @transform_3, window_bounds = array<i64: 2, 2000, 128>}, {pipeline_mode = #tpu.pipeline_mode<synchronous>, transform_indices = @transform_4, window_bounds = array<i64: 128, 128>}, {pipeline_mode = #tpu.pipeline_mode<synchronous>, transform_indices = @transform_5, window_bounds = array<i64: 1, 128>}, {pipeline_mode = #tpu.pipeline_mode<synchronous>, transform_indices = @transform_6, window_bounds = array<i64: 128, 128>}, {pipeline_mode = #tpu.pipeline_mode<synchronous>, transform_indices = @transform_7, window_bounds = array<i64: 1, 128>}, {transform_indices = @transform_8, window_bounds = array<i64: 2000, 128>}, {pipeline_mode = #tpu.pipeline_mode<synchronous>, transform_indices = @transform_9, window_bounds = array<i64: 64, 128>}]} {
    %get3A = arith.constant 0 : index
    %get3A_0 = memref.load %arg1[%get3A] : memref<1xf32, #tpu.memory_space<smem>>
    %get3A_1 = arith.constant 0 : index
    %get3A_2 = arith.constant 0 : index
    %get3A_3 = vector.load %arg3[%get3A_1, %get3A_2] : memref<2000x128xf32, #tpu.memory_space<vmem>>, vector<2000x128xf32>
    %mul3A = vector.broadcast %get3A_0 : f32 to vector<2000x128xf32>
    %mul3A_4 = arith.mulf %mul3A, %get3A_3 : vector<2000x128xf32>
    %get3A_5 = arith.constant 0 : index
    %get3A_6 = arith.constant 0 : index
    %get3A_7 = arith.constant 0 : index
    %get3A_8 = vector.load %arg4[%get3A_5, %get3A_6, %get3A_7] : memref<2x2000x128xf32, #tpu.memory_space<vmem>>, vector<1x2000x128xf32>
    %get3A_9 = vector.shape_cast %get3A_8 : vector<1x2000x128xf32> to vector<2000x128xf32>
    %add3A = arith.addf %mul3A_4, %get3A_9 : vector<2000x128xf32>
    %get3A_10 = arith.constant 1 : index
    %get3A_11 = arith.constant 0 : index
    %get3A_12 = arith.constant 0 : index
    %get3A_13 = vector.load %arg4[%get3A_10, %get3A_11, %get3A_12] : memref<2x2000x128xf32, #tpu.memory_space<vmem>>, vector<1x2000x128xf32>
    %get3A_14 = vector.shape_cast %get3A_13 : vector<1x2000x128xf32> to vector<2000x128xf32>
    %add3A_15 = arith.addf %add3A, %get3A_14 : vector<2000x128xf32>
    %get3A_16 = arith.constant 0 : index
    %get3A_17 = arith.constant 0 : index
    %get3A_18 = vector.load %arg5[%get3A_16, %get3A_17] : memref<128x128xf32, #tpu.memory_space<vmem>>, vector<128x128xf32>
    %dot_general3A = arith.constant dense<0.000000e+00> : vector<2000x128xf32>
    %dot_general3A_19 = tpu.matmul %add3A_15, %get3A_18, %dot_general3A {dimension_numbers = #tpu.dot_dimension_numbers<[1], [0], [0], [1], [0, 0, 1, 1], [], []>, transpose_lhs_hint = false} : vector<2000x128xf32>, vector<128x128xf32>, vector<2000x128xf32> -> vector<2000x128xf32>
    %get3A_20 = arith.constant 0 : index
    %get3A_21 = arith.constant 0 : index
    %get3A_22 = vector.load %arg6[%get3A_20, %get3A_21] : memref<1x128xf32, #tpu.memory_space<vmem>>, vector<1x128xf32>
    %add3A_23 = vector.broadcast %get3A_22 : vector<1x128xf32> to vector<2000x128xf32>
    %add3A_24 = arith.addf %dot_general3A_19, %add3A_23 : vector<2000x128xf32>
    %max3A = arith.constant 0.000000e+00 : f32
    %max3A_25 = vector.broadcast %max3A : f32 to vector<2000x128xf32>
    %max3A_26 = arith.maximumf %add3A_24, %max3A_25 : vector<2000x128xf32>
    %get3A_27 = arith.constant 0 : index
    %get3A_28 = arith.constant 0 : index
    %get3A_29 = vector.load %arg7[%get3A_27, %get3A_28] : memref<128x128xf32, #tpu.memory_space<vmem>>, vector<128x128xf32>
    %dot_general3A_30 = arith.constant dense<0.000000e+00> : vector<2000x128xf32>
    %dot_general3A_31 = tpu.matmul %max3A_26, %get3A_29, %dot_general3A_30 {dimension_numbers = #tpu.dot_dimension_numbers<[1], [0], [0], [1], [0, 0, 1, 1], [], []>, transpose_lhs_hint = false} : vector<2000x128xf32>, vector<128x128xf32>, vector<2000x128xf32> -> vector<2000x128xf32>
    %get3A_32 = arith.constant 0 : index
    %get3A_33 = arith.constant 0 : index
    %get3A_34 = vector.load %arg8[%get3A_32, %get3A_33] : memref<1x128xf32, #tpu.memory_space<vmem>>, vector<1x128xf32>
    %add3A_35 = vector.broadcast %get3A_34 : vector<1x128xf32> to vector<2000x128xf32>
    %add3A_36 = arith.addf %dot_general3A_31, %add3A_35 : vector<2000x128xf32>
    %max3A_37 = arith.constant 0.000000e+00 : f32
    %max3A_38 = vector.broadcast %max3A_37 : f32 to vector<2000x128xf32>
    %max3A_39 = arith.maximumf %add3A_36, %max3A_38 : vector<2000x128xf32>
    %swap3A = arith.constant 0 : index
    %swap3A_40 = arith.constant 0 : index
    %swap3A_41 = vector.load %arg9[%swap3A, %swap3A_40] : memref<2000x128xf32, #tpu.memory_space<vmem>>, vector<2000x128xf32>
    tpu.vector_store %arg9[%swap3A, %swap3A_40], %max3A_39 {strides = array<i32>} : memref<2000x128xf32, #tpu.memory_space<vmem>>, vector<2000x128xf32>,
    %get3A_42 = arith.constant 0 : index
    %get3A_43 = arith.constant 0 : index
    %get3A_44 = arith.constant 0 : index
    %get3A_45 = vector.load %arg2[%get3A_42, %get3A_43, %get3A_44] : memref<1x1x2000xi32, #tpu.memory_space<vmem>>, vector<1x1x2000xi32>
    %get3A_46 = vector.shape_cast %get3A_45 : vector<1x1x2000xi32> to vector<2000xi32>
    %iota3A = tpu.iota {dimensions = array<i32: 0>} : vector<64x2000xi32>
    %broadcast_in_dim3A = vector.shape_cast %get3A_46 : vector<2000xi32> to vector<1x2000xi32>
    %eq3A = vector.broadcast %broadcast_in_dim3A : vector<1x2000xi32> to vector<64x2000xi32>
    %eq3A_47 = arith.cmpi eq, %iota3A, %eq3A : vector<64x2000xi32>
    %convert_element_type3A = arith.extui %eq3A_47 : vector<64x2000xi1> to vector<64x2000xi32>
    %convert_element_type3A_48 = arith.sitofp %convert_element_type3A : vector<64x2000xi32> to vector<64x2000xf32>
    %dot_general3A_49 = arith.constant dense<0.000000e+00> : vector<64x128xf32>
    %dot_general3A_50 = tpu.matmul %convert_element_type3A_48, %max3A_39, %dot_general3A_49 {dimension_numbers = #tpu.dot_dimension_numbers<[1], [0], [0], [1], [0, 0, 1, 1], [], []>, transpose_lhs_hint = false} : vector<64x2000xf32>, vector<2000x128xf32>, vector<64x128xf32> -> vector<64x128xf32>
    %eq3A_51 = arith.constant 0 : i32
    %eq3A_52 = arith.cmpi eq, %arg0, %eq3A_51 : i32
    %convert_element_type3A_53 = arith.extui %eq3A_52 : i1 to i32
    %cond3A = arith.constant 0 : i32
    %cond3A_54 = arith.cmpi ne, %convert_element_type3A_53, %cond3A : i32
    scf.if %cond3A_54 {
      %swap3A_64 = arith.constant 0 : index
      %swap3A_65 = arith.constant 0 : index
      %swap3A_66 = vector.load %arg11[%swap3A_64, %swap3A_65] : memref<64x128xf32, #tpu.memory_space<vmem>>, vector<64x128xf32>
      tpu.vector_store %arg11[%swap3A_64, %swap3A_65], %dot_general3A_50 {strides = array<i32>} : memref<64x128xf32, #tpu.memory_space<vmem>>, vector<64x128xf32>,
    } else {
    }
    %gt3A = arith.constant 0 : i32
    %gt3A_55 = arith.cmpi sgt, %arg0, %gt3A : i32
    %convert_element_type3A_56 = arith.extui %gt3A_55 : i1 to i32
    %cond3A_57 = arith.constant 0 : i32
    %cond3A_58 = arith.cmpi ne, %convert_element_type3A_56, %cond3A_57 : i32
    scf.if %cond3A_58 {
      %get3A_64 = arith.constant 0 : index
      %get3A_65 = arith.constant 0 : index
      %get3A_66 = vector.load %arg11[%get3A_64, %get3A_65] : memref<64x128xf32, #tpu.memory_space<vmem>>, vector<64x128xf32>
      %add3A_67 = arith.addf %get3A_66, %dot_general3A_50 : vector<64x128xf32>
      %swap3A_68 = arith.constant 0 : index
      %swap3A_69 = arith.constant 0 : index
      %swap3A_70 = vector.load %arg11[%swap3A_68, %swap3A_69] : memref<64x128xf32, #tpu.memory_space<vmem>>, vector<64x128xf32>
      tpu.vector_store %arg11[%swap3A_68, %swap3A_69], %add3A_67 {strides = array<i32>} : memref<64x128xf32, #tpu.memory_space<vmem>>, vector<64x128xf32>,
    } else {
    }
    %eq3A_59 = arith.constant 4 : i32
    %eq3A_60 = arith.cmpi eq, %arg0, %eq3A_59 : i32
    %convert_element_type3A_61 = arith.extui %eq3A_60 : i1 to i32
    %cond3A_62 = arith.constant 0 : i32
    %cond3A_63 = arith.cmpi ne, %convert_element_type3A_61, %cond3A_62 : i32
    scf.if %cond3A_63 {
      %get3A_64 = arith.constant 0 : index
      %get3A_65 = arith.constant 0 : index
      %get3A_66 = vector.load %arg11[%get3A_64, %get3A_65] : memref<64x128xf32, #tpu.memory_space<vmem>>, vector<64x128xf32>
      %swap3A_67 = arith.constant 0 : index
      %swap3A_68 = arith.constant 0 : index
      %swap3A_69 = vector.load %arg10[%swap3A_67, %swap3A_68] : memref<64x128xf32, #tpu.memory_space<vmem>>, vector<64x128xf32>
      tpu.vector_store %arg10[%swap3A_67, %swap3A_68], %get3A_66 {strides = array<i32>} : memref<64x128xf32, #tpu.memory_space<vmem>>, vector<64x128xf32>,
    } else {
    }
    return
  }
  func.func @transform_0(%arg0: i32) -> i32 {
    %c0_i32 = arith.constant 0 : i32
    %c0_i32_0 = arith.constant 0 : i32
    return %c0_i32 : i32
  }
  func.func @transform_1(%arg0: i32) -> (i32, i32, i32) {
    %c0_i32 = arith.constant 0 : i32
    %c0_i32_0 = arith.constant 0 : i32
    %c0_i32_1 = arith.constant 0 : i32
    return %arg0, %c0_i32, %c0_i32_0 : i32, i32, i32
  }
  func.func @transform_2(%arg0: i32) -> (i32, i32) {
    %c0_i32 = arith.constant 0 : i32
    %c0_i32_0 = arith.constant 0 : i32
    return %arg0, %c0_i32 : i32, i32
  }
  func.func @transform_3(%arg0: i32) -> (i32, i32, i32) {
    %c0_i32 = arith.constant 0 : i32
    %c0_i32_0 = arith.constant 0 : i32
    %c0_i32_1 = arith.constant 0 : i32
    return %c0_i32, %arg0, %c0_i32_0 : i32, i32, i32
  }
  func.func @transform_4(%arg0: i32) -> (i32, i32) {
    %c0_i32 = arith.constant 0 : i32
    %c0_i32_0 = arith.constant 0 : i32
    %c0_i32_1 = arith.constant 0 : i32
    return %c0_i32, %c0_i32_0 : i32, i32
  }
  func.func @transform_5(%arg0: i32) -> (i32, i32) {
    %c0_i32 = arith.constant 0 : i32
    %c0_i32_0 = arith.constant 0 : i32
    %c0_i32_1 = arith.constant 0 : i32
    return %c0_i32, %c0_i32_0 : i32, i32
  }
  func.func @transform_6(%arg0: i32) -> (i32, i32) {
    %c0_i32 = arith.constant 0 : i32
    %c0_i32_0 = arith.constant 0 : i32
    %c0_i32_1 = arith.constant 0 : i32
    return %c0_i32, %c0_i32_0 : i32, i32
  }
  func.func @transform_7(%arg0: i32) -> (i32, i32) {
    %c0_i32 = arith.constant 0 : i32
    %c0_i32_0 = arith.constant 0 : i32
    %c0_i32_1 = arith.constant 0 : i32
    return %c0_i32, %c0_i32_0 : i32, i32
  }
  func.func @transform_8(%arg0: i32) -> (i32, i32) {
    %c0_i32 = arith.constant 0 : i32
    %c0_i32_0 = arith.constant 0 : i32
    return %arg0, %c0_i32 : i32, i32
  }
  func.func @transform_9(%arg0: i32) -> (i32, i32) {
    %c0_i32 = arith.constant 0 : i32
    %c0_i32_0 = arith.constant 0 : i32
    %c0_i32_1 = arith.constant 0 : i32
    return %c0_i32, %c0_i32_0 : i32, i32
  }
}

</mosaic_0001>

<sc_bundles>
// kernel: kernel.12.cloned.1.call-start
scs
__scs_entry_jumppad:
0x0: {  	(pc) =	sbr.rel $0x88, $3  }
0x1: {  	(tag) =	ssettag $0x0;
	lr =	simm.s32 $0x1  }
0x2: {  	[smem:$0x3F8B] =	sst lr;
	_ =	strace $0xD0000000  }
0x3: {  	_ = 	snop  }
0x4: {  	_ = 	snop  }
0x5: {  	_ = 	snop  }
0x6: {  	_ = 	snop  }
0x7: {  	_ = 	snop  }
__scs_overlays_trampoline_lowered:
0x8: {  	[smem:$0x3F9A] =	sst s0  }
0x9: {  	[smem:$0x3F9B] =	sst s1  }
0xa: {  	[smem:$0x3F9C] =	sst s2  }
0xb: {  	[smem:$0x3F9D] =	sst s3  }
0xc: {  	[smem:$0x3F9E] =	sst s4  }
0xd: {  	[smem:$0x3F9F] =	sst s5  }
0xe: {  	[smem:$0x3FA0] =	sst s6  }
0xf: {  	[smem:$0x3FA1] =	sst s7  }
0x10: {  	[smem:$0x3FA2] =	sst s8  }
0x11: {  	[smem:$0x3FA3] =	sst s9;
	s0 =	simm.s32 @!p0 $0x0  }
0x12: {  	s1 =	sld [smem:$0x3F89];
	s0 =	simm.s32 @p0 $0x1  }
0x13: {  	[smem:$0x3FA4] =	sst s0;
	s0 =	simm.s32 @!p1 $0x0  }
0x14: {  	s2 =	sld [smem:$0x3F88];
	s0 =	simm.s32 @p1 $0x1  }
0x15: {  	[smem:$0x3FA5] =	sst s0;
	s0 =	simm.s32 @!p2 $0x0  }
0x16: {  	s3 =	sld [smem:$0x3FDB];
	s0 =	simm.s32 @p2 $0x1  }
0x17: {  	s4 =	simm.s32 $0x1BF5;
	[smem:$0x3FA7] =	sst s0  }
0x18: {  	s0 =	sld [smem:$0x3F8A];
	_ =	swait.ge [sflag:s4], $0x0  }
0x19: {  	s7 =	sld [smem:$0x3F8B]  }
0x1a: {  	s8 =	sadd.s32 $0xFFFFE003, lr  }
0x1b: {  	s9 =	sadd.s32 $0xFFFFFEF7, lr;
	s5 =	simm.s32 $0xFFFFFFFF;
	p2 =	slt.u32 s8, $0xFFFFF086  }
0x1c: {  	p1 =	slt.u32 s9, $0xF7A;
	s5 =	simm.s32 @!p2 $0x0  }
0x1d: {  	s5 =	simm.s32 @p1 $0x1;
	p0 =	seq.s32 s7, s2  }
0x1e: {  	s7 =	smul.u32 @!p0 $0xF7A, s2;
	p2 =	seq.s32 @!p0 s5, $0x0  }
0x1f: {  	s9 =	smul.u32 $0xF7A, s1;
	s8 =	simm.s32 @!p0 $0x1BF5;
	p2 =	por !p2, p0  }
0x20: {  	[sflag:s8] =	ssyncset.s32 @!p0 $0xFFFFF086;
	s6 =	sadd.s32 @!p0 s3, s7;
	s7 =	simm.s32 @!p0 $0x108  }
0x21: {  	s3 =	sadd.s32 s3, s9;
	s6 =	sadd.s32 @!p0 $0x88, s6;
	s7 =	simm.s32 @p2 $0x1082  }
0x22: {  	[simem:s7], [sflag:s8] =	dma.local @!p0 [hbm:s6], $0xF7A  }
0x23: {  	s9 =	sor.u32 $0xD0000000, s2;
	s6 =	simm.s32 $0x108;
	_ =	swait.ge @!p0 [sflag:s8], $0x0  }
0x24: {  	s3 =	sadd.s32 $0x88, s3;
	s6 =	simm.s32 @!p1 $0x1082;
	[sflag:s4] =	ssyncset.s32 $0xFFFFF086  }
0x25: {  	[simem:s6], [sflag:s4] =	dma.local [hbm:s3], $0xF7A  }
0x26: {  	[smem:$0x3F8B] =	sst s1;
	(tag) =	ssettag s2;
	_ =	strace s9  }
0x27: {  	s1 =	sld [smem:$0x3F9B]  }
0x28: {  	s2 =	sld [smem:$0x3F9C]  }
0x29: {  	s4 =	sld [smem:$0x3F9E]  }
0x2a: {  	p0 =	seq.s32 s5, $0x0;
	s5 =	sld [smem:$0x3F9F]  }
0x2b: {  	s6 =	sld [smem:$0x3FA0]  }
0x2c: {  	s7 =	sld [smem:$0x3FA1]  }
0x2d: {  	s3 =	simm.s32 $0x108;
	s8 =	sld [smem:$0x3FA2]  }
0x2e: {  	s3 =	simm.s32 @!p0 $0x1082;
	s9 =	sld [smem:$0x3FA3]  }
0x2f: {  	lr =	sadd.s32 s0, s3;
	s0 =	sld [smem:$0x3F9A]  }
0x30: {  	s3 =	sld [smem:$0x3F9D]  }
0x31: {  	[smem:$0x3FA6] =	sst s10  }
0x32: {  	s10 =	sld [smem:$0x3FA4];
	_ =	sdelay $0x3  }
0x33: {  	p0 =	seq.s32 s10, $0x1;
	s10 =	sld [smem:$0x3FA6];
	_ =	sdelay $0x3  }
0x34: {  	[smem:$0x3FA6] =	sst s10  }
0x35: {  	s10 =	sld [smem:$0x3FA5];
	_ =	sdelay $0x3  }
0x36: {  	p1 =	seq.s32 s10, $0x1;
	s10 =	sld [smem:$0x3FA6];
	_ =	sdelay $0x3  }
0x37: {  	[smem:$0x3FA6] =	sst s10  }
0x38: {  	s10 =	sld [smem:$0x3FA7]  }
0x39: {  	_ = 	snop;
	(pc) =	sbr.ind lr, $3  }
0x3a: {  	_ = 	snop  }
0x3b: {  	_ = 	snop  }
0x3c: {  	p2 =	seq.s32 s10, $0x1;
	s10 =	sld [smem:$0x3FA6]  }
0x3d: {  	_ =	shalt  }
0x3e: {  	_ =	shalt  }
0x3f: {  	_ =	shalt  }
0x40: {  	_ =	shalt  }
0x41: {  	_ =	shalt  }
0x42: {  	_ =	shalt  }
0x43: {  	_ =	shalt  }
0x44: {  	_ =	shalt  }
0x45: {  	_ =	shalt  }
0x46: {  	_ =	shalt  }
0x47: {  	_ =	shalt  }
0x48: {  	_ =	shalt  }
0x49: {  	_ =	shalt  }
0x4a: {  	_ =	shalt  }
0x4b: {  	_ =	shalt  }
0x4c: {  	_ =	shalt  }
0x4d: {  	_ =	shalt  }
0x4e: {  	_ =	shalt  }
0x4f: {  	_ =	shalt  }
0x50: {  	_ =	shalt  }
0x51: {  	_ =	shalt  }
0x52: {  	_ =	shalt  }
0x53: {  	_ =	shalt  }
0x54: {  	_ =	shalt  }
0x55: {  	_ =	shalt  }
0x56: {  	_ =	shalt  }
0x57: {  	_ =	shalt  }
0x58: {  	_ =	shalt  }
0x59: {  	_ =	shalt  }
0x5a: {  	_ =	shalt  }
0x5b: {  	_ =	shalt  }
0x5c: {  	_ =	shalt  }
0x5d: {  	_ =	shalt  }
0x5e: {  	_ =	shalt  }
0x5f: {  	_ =	shalt  }
0x60: {  	_ =	shalt  }
0x61: {  	_ =	shalt  }
0x62: {  	_ =	shalt  }
0x63: {  	_ =	shalt  }
0x64: {  	_ =	shalt  }
0x65: {  	_ =	shalt  }
0x66: {  	_ =	shalt  }
0x67: {  	_ =	shalt  }
0x68: {  	_ =	shalt  }
0x69: {  	_ =	shalt  }
0x6a: {  	_ =	shalt  }
0x6b: {  	_ =	shalt  }
0x6c: {  	_ =	shalt  }
0x6d: {  	_ =	shalt  }
0x6e: {  	_ =	shalt  }
0x6f: {  	_ =	shalt  }
0x70: {  	_ =	shalt  }
0x71: {  	_ =	shalt  }
0x72: {  	_ =	shalt  }
0x73: {  	_ =	shalt  }
0x74: {  	_ =	shalt  }
0x75: {  	_ =	shalt  }
0x76: {  	_ =	shalt  }
0x77: {  	_ =	shalt  }
0x78: {  	_ =	shalt  }
0x79: {  	_ =	shalt  }
0x7a: {  	_ =	shalt  }
0x7b: {  	_ =	shalt  }
0x7c: {  	_ =	shalt  }
0x7d: {  	_ =	shalt  }
0x7e: {  	_ =	shalt  }
0x7f: {  	_ =	shalt  }
0x80: {  	_ =	shalt  }
0x81: {  	_ =	shalt  }
0x82: {  	_ =	shalt  }
0x83: {  	_ =	shalt  }
0x84: {  	_ =	shalt  }
0x85: {  	_ =	shalt  }
0x86: {  	_ =	shalt  }
0x87: {  	_ =	shalt  }
.Lfunc_end0:
.L_simem_size_0:
called_computation.1_lowered:
.L_overlay_start_0:
0x88: {  	s2 =	sld [smem:$0x3FD9]  }
0x89: {  	s3 =	sld [smem:$0x3FFE];
	_ =	sdelay $0x1  }
0x8a: {  	s1 =	srdreg.scid  }
0x8b: {  	s0 =	sand.u32 $0x1, s1  }
0x8c: {  	s16 =	sshll.u32 s0, $0xA;
	s2 =	sadd.s32 s3, s2  }
0x8d: {  	s2 =	sadd.s32 s2, s16  }
0x8e: {  	[smem:$0x3FB2] =	sst s2  }
0x8f: {  	_ = 	snop  }
0x90: {  	(tm) =	ssettm $0x1  }
0x91: {  	s17 =	sld [smem:$0x3FFB];
	_ =	sdelay $0x3  }
0x92: {  	_ =	strace s17  }
0x93: {  	s2 =	sld [smem:$0x3FFC];
	_ =	sdelay $0x3  }
0x94: {  	_ =	strace s2  }
0x95: {  	s2 =	sld [smem:$0x3FFD];
	_ =	sdelay $0x3  }
0x96: {  	_ =	strace s2  }
0x97: {  	_ =	strace $0x8FFFFFFF  }
0x98: {  	s18 =	sld [smem:$0x3FDB];
	_ =	sdelay $0x1  }
0x99: {  	s19 =	simm.s32 $_scs_section_size  }
0x9a: {  	s4 =	simm.s32 $_size__tile_overlayer_lowered;
	s5 =	simm.s32 $_tile_overlayer_lowered  }
0x9b: {  	s22 =	simm.s32 $0x1BFF;
	s21 =	sshll.u32 s5, $0x1;
	s2 =	sadd.s32 s19, s18  }
0x9c: {  	s6 =	simm.s32 $0x0;
	s20 =	sshll.u32 s4, $0x1;
	s4 =	sadd.s32 s21, s2  }
0x9d: {  	[timem:s6], [sflag:s22] =	dma.local [hbm:s4], s20  }
0x9e: {  	_ =	swait.ge [sflag:s22], s20  }
0x9f: {  	s3 =	ssub.s32 $0x0, s20;
	[sflag:s22] =	ssyncset.done $0x0  }
0xa0: {  	[sflag:s22] =	ssyncadd.s32 s3;
	_ =	sdelay $0x1  }
0xa1: {  	s23 =	simm.s32 $0x1B8B  }
0xa2: {  	_ =	swait.ge [sflag:s23], $0x1  }
0xa3: {  	[sflag:s23] =	ssyncset.done $0x0  }
0xa4: {  	s25 =	simm.s32 $0x1B8E;
	s24 =	sld [smem:$0x3FFE];
	[sflag:s23] =	ssyncadd.s32 $0xFFFFFFFF  }
0xa5: {  	s26 =	simm.s32 $execute0_lowered;
	[smem:$0x3FD2] =	sst s25  }
0xa6: {  	s4 =	sshll.u32 s26, $0x1;
	_ =	strace $0x80000049;
	[dreg:$0x1] =	wrdreg $0xFFFFFFFF  }
0xa7: {  	s28 =	simm.s32 $_size_execute0_lowered;
	s2 =	sadd.s32 s2, s4;
	[dreg:$0x0] =	wrdreg $0x0  }
0xa8: {  	s4 =	sshll.u32 s28, $0x1;
	[dreg:$0x2] =	wrdreg s2  }
0xa9: {  	[dreg:$0x3] =	wrdreg s4  }
0xaa: {  	[dreg:$0x4] =	wrdreg $0xC0  }
0xab: {  	_ =	task [dreg:s6], $0x5FFFF  }
0xac: {  	[dreg:$0x1] =	wrdreg $0xFFFFFFFF  }
0xad: {  	[dreg:$0x0] =	wrdreg $0x60  }
0xae: {  	[dreg:$0x2] =	wrdreg s24  }
0xaf: {  	[dreg:$0x3] =	wrdreg $0x0  }
0xb0: {  	[dreg:$0x4] =	wrdreg $0x9  }
0xb1: {  	_ =	task.clear_ibuf [dreg:s6], $0x5FFFF;
	_ =	strace $0x90000049  }
0xb2: {  	s29 =	simm.s32 $0x9;
	_ =	strace $0x8000004B  }
0xb3: {  	_ =	swait.ge [sflag:s29], $0x1  }
0xb4: {  	[sflag:s29] =	ssyncadd.s32 $0xFFFFFFFF  }
0xb5: {  	_ =	strace $0x9000004B  }
0xb6: {  	_ =	sfence  }
0xb7: {  	s30 =	sld [smem:$0x0];
	_ =	sdelay $0x2  }
0xb8: {  	s31 =	sshll.u32 s1, $0xD;
	s1 =	sshrl.u32 s1, $0x2  }
0xb9: {  	s3 =	sand.u32 $0x4000, s31;
	s1 =	sadd.s32 s1, s30  }
0xba: {  	s0 =	sor.u32 s3, s0;
	s1 =	sshll.u32 s1, $0x11  }
0xbb: {  	s0 =	sor.u32 s1, s0  }
0xbc: {  	s0 =	sadd.s32 $0x8F2B, s0  }
0xbd: {  	[sflag:s0] =	ssyncadd.remote.s32 $0x1  }
0xbe: {  	_ =	sfence.sel $0xFFFF  }
0xbf: {  	[dreg:$0x0] =	wrdreg $0xFFFFFFFF;
	(pc) =	sbr.abs _section_cstart, $3  }
0xc0: {  	[dreg:$0x1] =	wrdreg $0xFFFFFFFF  }
0xc1: {  	_ =	task.clear_ibuf [dreg:s6], $0x2FFFF;
	_ =	strace $0x9FFFFFFF  }
0xc2: {  	(tm) =	ssettm $0x7FFFFFFF  }
0xc3: {  	_ =	shalt  }
tec
execute0_lowered:
.L_overlay_start_1:
0x0: {  	(tag) =	ssettag $0x1  }
0x1: {  	s6 =	rddreg [dreg:$0x0]  }
0x2: {  	s1 =	rddreg [dreg:$0x1]  }
0x3: {  	s2 =	srdreg.scid;
	s0 =	rddreg [dreg:$0x2];
	s3 =	simm.s32 $0x0  }
0x4: {  	s7 =	sand.u32 $0x1, s2;
	s2 =	stileid.u32;
	[smem:$0x7FF] =	sst s3  }
0x5: {  	s4 =	sadd.s32 $0x1B200, s6;
	s8 =	smul.u32 $0x140000, s7;
	s5 =	sshll.u32 s2, $0x5  }
0x6: {  	s9 =	smul.u32 $0x14000, s2;
	_ =	strace $0x8000004A;
	s28 =	ssub.s32 $0x2, s7  }
0x7: {  	s12 =	smul.u32 $0x50000, s2;
	s30 =	sshll.u32 s2, $0x6;
	s13 =	sshll.u32 s7, $0x4  }
0x8: {  	s10 =	sadd.s32 s5, s6;
	s5 =	sadd.s32 $0x18A00, s6;
	s11 =	sshrl.u32 s28, $0x1  }
0x9: {  	s7 =	sor.u32 $0x1C02, s30;
	s8 =	sadd.s32 s9, s8;
	s9 =	ssub.s32 s28, s11  }
0xa: {  	s29 =	sshrl.u32 s12, $0x2;
	s31 =	sadd.s32 s13, s10;
	s13 =	simm.s32 $0x2  }
0xb: {  	s8 =	sshrl.u32 s8, $0x3;
	s14 =	sadd.s32 s29, s1;
	s9 =	smax.u32 s9, $0x1  }
0xc: {  	s10 =	sadd.s32 $0x4E00, s31;
	s11 =	sadd.s32 $0xEC00, s31;
	s8 =	sadd.s32 s8, s6  }
0xd: {  	s6 =	sshll.u32 s2, $0x1;
	s12 =	sshrl.u32 s14, $0x3;
	s8 =	sadd.s32 $0x42400, s8  }
.LBB2_1:
0xe: {  	[spmem:s12], [sflag:s7] =	dma.local [hbm:s5], $0x2800  }
0xf: {  	_ =	swait.ge [sflag:s13], $0x2800  }
0x10: {  	p0 =	sgt.u32 s6, $0x9C3;
	[sflag:s13] =	ssyncset.done $0x0  }
0x11: {  	s14 =	sadd.s32 @!p0 $0x0, s11;
	s15 =	simm.s32 @!p0 $0x0;
	[sflag:s13] =	ssyncadd.s32 $0xFFFFD800  }
0x12: {  	s16 =	simm.s32 @!p0 $0x14000;
	s17 =	simm.s32 @!p0 $0x3;
	[bflag:$0x0] =	sbarrier.arrive $0xFFFF  }
0x13: {  	[tilespmem:s16], [sflag:$0x3] =	stream.linear.gather @!p0 [hbm4b:s14+s15], $0x80, $0x38;
	[tilespmem:$0x18100] =	vst v63  }
0x14: {  	_ =	swait.ge @!p0 [sflag:s17], $0x80  }
0x15: {  	[sflag:s17] =	ssyncset.done @!p0 $0x0  }
0x16: {  	s18 =	simm.s32 @!p0 $0x14080;
	s14 =	sadd.s32 @!p0 $0x0, s10;
	[sflag:s17] =	ssyncadd.s32 @!p0 $0xFFFFFF80  }
0x17: {  	[tilespmem:s18], [sflag:$0x3] =	stream.linear.gather @!p0 [hbm4b:s14+s15], $0x80, $0x38;
	[tilespmem:$0x18100] =	vst v63  }
0x18: {  	_ =	swait.ge @!p0 [sflag:s17], $0x80;
	p0 =	por p0, p0  }
0x19: {  	[sflag:s17] =	ssyncset.done @!p0 $0x0;
	s14 =	simm.s32 @!p0 $0x80  }
0x1a: {  	s15 =	simm.s32 @!p0 $0x14100;
	[sflag:s17] =	ssyncadd.s32 @!p0 $0xFFFFFF80;
	s17 =	simm.s32 @!p0 $0x1  }
0x1b: {  	[tilespmem:s15], [sflag:$0x1] =	stream.indirect.gather @!p0 [hbm4b:s4+s14], $0x80, s16, s14, $0xb8;
	[tilespmem:$0x18100] =	vst v63  }
0x1c: {  	_ =	swait.ge @!p0 [sflag:s17], $0x4000  }
0x1d: {  	[sflag:s17] =	ssyncset.done @!p0 $0x0  }
0x1e: {  	[sflag:s17] =	ssyncadd.s32 @!p0 $0xFFFFC000  }
0x1f: {  	[spmem:s1] =	stream.indirect.scatter.add.f32 @!p0 [tilespmem:s15], [sflag:$0x2], $0x80, s18, s14, $0xb8;
	[tilespmem:$0x18100] =	vst v63  }
0x20: {  	s16 =	simm.s32 $0x400;
	s17 =	simm.s32 @!p0 $0x2;
	s15 =	sadd.s32 $0x20, s6  }
0x21: {  	s14 =	simm.s32 $0x200;
	p1 =	sgt.u32 s15, $0x9C3;
	_ =	swait.ge @!p0 [sflag:s17], $0x4000  }
.LBB2_2:
0x22: {  	s18 =	sadd.s32 @!p1 s14, s11;
	s19 =	simm.s32 @!p1 $0x0;
	[sflag:s17] =	ssyncset.done @!p0 $0x0  }
0x23: {  	s20 =	simm.s32 @!p1 $0x14000;
	s21 =	simm.s32 @!p1 $0x3;
	[sflag:s17] =	ssyncadd.s32 @!p0 $0xFFFFC000  }
0x24: {  	[tilespmem:s20], [sflag:$0x3] =	stream.linear.gather @!p1 [hbm4b:s18+s19], $0x80, $0x38;
	[tilespmem:$0x18100] =	vst v63  }
0x25: {  	s17 =	smov.u32 s16;
	s16 =	sadd.s32 $0x200, s16;
	_ =	swait.ge @!p1 [sflag:s21], $0x80  }
0x26: {  	s22 =	simm.s32 @!p1 $0x14080;
	s18 =	sadd.s32 @!p1 s14, s10;
	[sflag:s21] =	ssyncset.done @!p1 $0x0  }
0x27: {  	p2 =	sne.s32 s16, $0x9E00;
	s14 =	smov.u32 s17;
	[sflag:s21] =	ssyncadd.s32 @!p1 $0xFFFFFF80  }
0x28: {  	[tilespmem:s22], [sflag:$0x3] =	stream.linear.gather @!p1 [hbm4b:s18+s19], $0x80, $0x38;
	[tilespmem:$0x18100] =	vst v63  }
0x29: {  	p0 =	por p1, p1;
	_ =	swait.ge @!p1 [sflag:s21], $0x80  }
0x2a: {  	s18 =	simm.s32 @!p0 $0x80;
	s19 =	simm.s32 @!p0 $0x14100;
	[sflag:s21] =	ssyncset.done @!p0 $0x0  }
0x2b: {  	s17 =	simm.s32 @!p0 $0x1;
	[sflag:s21] =	ssyncadd.s32 @!p0 $0xFFFFFF80  }
0x2c: {  	[tilespmem:s19], [sflag:$0x1] =	stream.indirect.gather @!p0 [hbm4b:s4+s18], $0x80, s20, s18, $0xb8;
	[tilespmem:$0x18100] =	vst v63  }
.Ltmp0:
0x2d: {  	_ =	swait.ge @!p0 [sflag:s17], $0x4000;
	(pc) =	sbr.rel @p2 .LBB2_2-.Ltmp0, $4  }
0x2e: {  	[sflag:s17] =	ssyncset.done @!p0 $0x0  }
0x2f: {  	s15 =	sadd.s32 $0x20, s15;
	[sflag:s17] =	ssyncadd.s32 @!p0 $0xFFFFC000;
	s17 =	simm.s32 @!p0 $0x2  }
0x30: {  	[spmem:s1] =	stream.indirect.scatter.add.f32 @!p0 [tilespmem:s19], [sflag:$0x2], $0x80, s22, s18, $0xb8;
	[tilespmem:$0x18100] =	vst v63  }
0x31: {  	p1 =	sgt.u32 s15, $0x9C3;
	_ =	swait.ge @!p0 [sflag:s17], $0x4000  }
0x32: {  	s15 =	sadd.s32 @!p1 s14, s11;
	s16 =	simm.s32 @!p1 $0x0;
	[sflag:s17] =	ssyncset.done @!p0 $0x0  }
0x33: {  	s18 =	simm.s32 @!p1 $0x14000;
	s19 =	simm.s32 @!p1 $0x3;
	[sflag:s17] =	ssyncadd.s32 @!p0 $0xFFFFC000  }
0x34: {  	[tilespmem:s18], [sflag:$0x3] =	stream.linear.gather @!p1 [hbm4b:s15+s16], $0x80, $0x38;
	[tilespmem:$0x18100] =	vst v63  }
0x35: {  	_ =	swait.ge @!p1 [sflag:s19], $0x80  }
0x36: {  	[sflag:s19] =	ssyncset.done @!p1 $0x0  }
0x37: {  	s14 =	sadd.s32 @!p1 s14, s10;
	s15 =	simm.s32 @!p1 $0x14080;
	[sflag:s19] =	ssyncadd.s32 @!p1 $0xFFFFFF80  }
0x38: {  	[tilespmem:s15], [sflag:$0x3] =	stream.linear.gather @!p1 [hbm4b:s14+s16], $0x80, $0x38;
	[tilespmem:$0x18100] =	vst v63  }
0x39: {  	p0 =	por p1, p1;
	_ =	swait.ge @!p1 [sflag:s19], $0x80  }
0x3a: {  	s17 =	simm.s32 @!p0 $0x1;
	[sflag:s19] =	ssyncset.done @!p0 $0x0  }
0x3b: {  	s14 =	simm.s32 @!p0 $0x80;
	s16 =	simm.s32 @!p0 $0x14100;
	[sflag:s19] =	ssyncadd.s32 @!p0 $0xFFFFFF80  }
0x3c: {  	[tilespmem:s16], [sflag:$0x1] =	stream.indirect.gather @!p0 [hbm4b:s4+s14], $0x80, s18, s14, $0xb8;
	[tilespmem:$0x18100] =	vst v63  }
0x3d: {  	_ =	swait.ge @!p0 [sflag:s17], $0x4000  }
0x3e: {  	[sflag:s17] =	ssyncset.done @!p0 $0x0  }
0x3f: {  	[sflag:s17] =	ssyncadd.s32 @!p0 $0xFFFFC000;
	s17 =	simm.s32 @!p0 $0x2  }
0x40: {  	[spmem:s1] =	stream.indirect.scatter.add.f32 @!p0 [tilespmem:s16], [sflag:$0x2], $0x80, s15, s14, $0xb8;
	[tilespmem:$0x18100] =	vst v63  }
0x41: {  	_ =	swait.ge @!p0 [sflag:s17], $0x4000  }
0x42: {  	s3 =	sadd.s32 $0x1, s3;
	[sflag:s17] =	ssyncset.done @!p0 $0x0  }
0x43: {  	[sflag:s17] =	ssyncadd.s32 @!p0 $0xFFFFC000;
	p0 =	sne.s32 s3, s9  }
.Ltmp1:
0x44: {  	[bflag:$0x0] =	sbarrier.arrive $0xFFFF;
	(pc) =	sbr.rel @p0 .LBB2_1-.Ltmp1, $4  }
0x45: {  	[hbm:s8], [sflag:s7] =	dma.local [spmem:s12], $0x2800  }
0x46: {  	_ =	swait.ge [sflag:s13], $0x2800  }
0x47: {  	[sflag:s13] =	ssyncset.done $0x0  }
0x48: {  	[sflag:s13] =	ssyncadd.s32 $0xFFFFD800  }
0x49: {  	_ =	sfence.sel $0x180000  }
0x4a: {  	[bflag:$0x0] =	sbarrier.arrive $0xFFFF  }
0x4b: {  	p0 =	sne.s32 s2, $0x0;
	_ =	strace $0x9000004A  }
0x4c: {  	s0 =	sadd.s32 @!p0 $0x100000, s0;
	[bflag:$0x2] =	sbarrier.arrive $0xFFFF  }
0x4d: {  	[sflag:s0] =	ssyncadd.tile.s32 @!p0 $0x1;
	_ =	shalt  }
.Lfunc_end2:
_tile_overlayer_lowered:
.L_overlay_start_2:
0x4e: {  	(tag) =	ssettag $0x2  }
0x4f: {  	s0 =	rddreg [dreg:$0x0];
	s2 =	stileid.u32  }
0x50: {  	s1 =	rddreg [dreg:$0x1];
	p0 =	sne.s32 s2, $0x0  }
0x51: {  	s3 =	rddreg [dreg:$0x2];
	[bflag:$0x3] =	sbarrier.arrive $0xFFFF;
	s2 =	simm.s32 @!p0 $0x1C02  }
0x52: {  	[timem:s3], [sflag:s2] =	dma.local @!p0 [hbm:s0], s1  }
0x53: {  	s0 =	simm.s32 @!p0 $0x2  }
0x54: {  	_ =	swait.ge @!p0 [sflag:s0], s1  }
0x55: {  	s1 =	ssub.s32 @!p0 $0x0, s1;
	[sflag:s0] =	ssyncset.done @!p0 $0x0  }
0x56: {  	[sflag:s0] =	ssyncadd.s32 @!p0 s1  }
0x57: {  	[bflag:$0x3] =	sbarrier.arrive $0xFFFF  }
0x58: {  	_ =	shalt  }

// kernel: kernel.15.cloned.1.call-start
scs
__scs_entry_jumppad:
0x0: {  	(pc) =	sbr.rel $0x88, $3  }
0x1: {  	(tag) =	ssettag $0x0;
	lr =	simm.s32 $0x1  }
0x2: {  	[smem:$0x3F8B] =	sst lr;
	_ =	strace $0xD0000000  }
0x3: {  	_ = 	snop  }
0x4: {  	_ = 	snop  }
0x5: {  	_ = 	snop  }
0x6: {  	_ = 	snop  }
0x7: {  	_ = 	snop  }
__scs_overlays_trampoline_lowered:
0x8: {  	[smem:$0x3F9A] =	sst s0  }
0x9: {  	[smem:$0x3F9B] =	sst s1  }
0xa: {  	[smem:$0x3F9C] =	sst s2  }
0xb: {  	[smem:$0x3F9D] =	sst s3  }
0xc: {  	[smem:$0x3F9E] =	sst s4  }
0xd: {  	[smem:$0x3F9F] =	sst s5  }
0xe: {  	[smem:$0x3FA0] =	sst s6  }
0xf: {  	[smem:$0x3FA1] =	sst s7  }
0x10: {  	[smem:$0x3FA2] =	sst s8  }
0x11: {  	[smem:$0x3FA3] =	sst s9;
	s0 =	simm.s32 @!p0 $0x0  }
0x12: {  	s1 =	sld [smem:$0x3F89];
	s0 =	simm.s32 @p0 $0x1  }
0x13: {  	[smem:$0x3FA4] =	sst s0;
	s0 =	simm.s32 @!p1 $0x0  }
0x14: {  	s2 =	sld [smem:$0x3F88];
	s0 =	simm.s32 @p1 $0x1  }
0x15: {  	[smem:$0x3FA5] =	sst s0;
	s0 =	simm.s32 @!p2 $0x0  }
0x16: {  	s3 =	sld [smem:$0x3FDB];
	s0 =	simm.s32 @p2 $0x1  }
0x17: {  	s4 =	simm.s32 $0x1BF5;
	[smem:$0x3FA7] =	sst s0  }
0x18: {  	s0 =	sld [smem:$0x3F8A];
	_ =	swait.ge [sflag:s4], $0x0  }
0x19: {  	s7 =	sld [smem:$0x3F8B]  }
0x1a: {  	s8 =	sadd.s32 $0xFFFFE003, lr  }
0x1b: {  	s9 =	sadd.s32 $0xFFFFFEF7, lr;
	s5 =	simm.s32 $0xFFFFFFFF;
	p2 =	slt.u32 s8, $0xFFFFF086  }
0x1c: {  	p1 =	slt.u32 s9, $0xF7A;
	s5 =	simm.s32 @!p2 $0x0  }
0x1d: {  	s5 =	simm.s32 @p1 $0x1;
	p0 =	seq.s32 s7, s2  }
0x1e: {  	s7 =	smul.u32 @!p0 $0xF7A, s2;
	p2 =	seq.s32 @!p0 s5, $0x0  }
0x1f: {  	s9 =	smul.u32 $0xF7A, s1;
	s8 =	simm.s32 @!p0 $0x1BF5;
	p2 =	por !p2, p0  }
0x20: {  	[sflag:s8] =	ssyncset.s32 @!p0 $0xFFFFF086;
	s6 =	sadd.s32 @!p0 s3, s7;
	s7 =	simm.s32 @!p0 $0x108  }
0x21: {  	s3 =	sadd.s32 s3, s9;
	s6 =	sadd.s32 @!p0 $0x88, s6;
	s7 =	simm.s32 @p2 $0x1082  }
0x22: {  	[simem:s7], [sflag:s8] =	dma.local @!p0 [hbm:s6], $0xF7A  }
0x23: {  	s9 =	sor.u32 $0xD0000000, s2;
	s6 =	simm.s32 $0x108;
	_ =	swait.ge @!p0 [sflag:s8], $0x0  }
0x24: {  	s3 =	sadd.s32 $0x88, s3;
	s6 =	simm.s32 @!p1 $0x1082;
	[sflag:s4] =	ssyncset.s32 $0xFFFFF086  }
0x25: {  	[simem:s6], [sflag:s4] =	dma.local [hbm:s3], $0xF7A  }
0x26: {  	[smem:$0x3F8B] =	sst s1;
	(tag) =	ssettag s2;
	_ =	strace s9  }
0x27: {  	s1 =	sld [smem:$0x3F9B]  }
0x28: {  	s2 =	sld [smem:$0x3F9C]  }
0x29: {  	s4 =	sld [smem:$0x3F9E]  }
0x2a: {  	p0 =	seq.s32 s5, $0x0;
	s5 =	sld [smem:$0x3F9F]  }
0x2b: {  	s6 =	sld [smem:$0x3FA0]  }
0x2c: {  	s7 =	sld [smem:$0x3FA1]  }
0x2d: {  	s3 =	simm.s32 $0x108;
	s8 =	sld [smem:$0x3FA2]  }
0x2e: {  	s3 =	simm.s32 @!p0 $0x1082;
	s9 =	sld [smem:$0x3FA3]  }
0x2f: {  	lr =	sadd.s32 s0, s3;
	s0 =	sld [smem:$0x3F9A]  }
0x30: {  	s3 =	sld [smem:$0x3F9D]  }
0x31: {  	[smem:$0x3FA6] =	sst s10  }
0x32: {  	s10 =	sld [smem:$0x3FA4];
	_ =	sdelay $0x3  }
0x33: {  	p0 =	seq.s32 s10, $0x1;
	s10 =	sld [smem:$0x3FA6];
	_ =	sdelay $0x3  }
0x34: {  	[smem:$0x3FA6] =	sst s10  }
0x35: {  	s10 =	sld [smem:$0x3FA5];
	_ =	sdelay $0x3  }
0x36: {  	p1 =	seq.s32 s10, $0x1;
	s10 =	sld [smem:$0x3FA6];
	_ =	sdelay $0x3  }
0x37: {  	[smem:$0x3FA6] =	sst s10  }
0x38: {  	s10 =	sld [smem:$0x3FA7]  }
0x39: {  	_ = 	snop;
	(pc) =	sbr.ind lr, $3  }
0x3a: {  	_ = 	snop  }
0x3b: {  	_ = 	snop  }
0x3c: {  	p2 =	seq.s32 s10, $0x1;
	s10 =	sld [smem:$0x3FA6]  }
0x3d: {  	_ =	shalt  }
0x3e: {  	_ =	shalt  }
0x3f: {  	_ =	shalt  }
0x40: {  	_ =	shalt  }
0x41: {  	_ =	shalt  }
0x42: {  	_ =	shalt  }
0x43: {  	_ =	shalt  }
0x44: {  	_ =	shalt  }
0x45: {  	_ =	shalt  }
0x46: {  	_ =	shalt  }
0x47: {  	_ =	shalt  }
0x48: {  	_ =	shalt  }
0x49: {  	_ =	shalt  }
0x4a: {  	_ =	shalt  }
0x4b: {  	_ =	shalt  }
0x4c: {  	_ =	shalt  }
0x4d: {  	_ =	shalt  }
0x4e: {  	_ =	shalt  }
0x4f: {  	_ =	shalt  }
0x50: {  	_ =	shalt  }
0x51: {  	_ =	shalt  }
0x52: {  	_ =	shalt  }
0x53: {  	_ =	shalt  }
0x54: {  	_ =	shalt  }
0x55: {  	_ =	shalt  }
0x56: {  	_ =	shalt  }
0x57: {  	_ =	shalt  }
0x58: {  	_ =	shalt  }
0x59: {  	_ =	shalt  }
0x5a: {  	_ =	shalt  }
0x5b: {  	_ =	shalt  }
0x5c: {  	_ =	shalt  }
0x5d: {  	_ =	shalt  }
0x5e: {  	_ =	shalt  }
0x5f: {  	_ =	shalt  }
0x60: {  	_ =	shalt  }
0x61: {  	_ =	shalt  }
0x62: {  	_ =	shalt  }
0x63: {  	_ =	shalt  }
0x64: {  	_ =	shalt  }
0x65: {  	_ =	shalt  }
0x66: {  	_ =	shalt  }
0x67: {  	_ =	shalt  }
0x68: {  	_ =	shalt  }
0x69: {  	_ =	shalt  }
0x6a: {  	_ =	shalt  }
0x6b: {  	_ =	shalt  }
0x6c: {  	_ =	shalt  }
0x6d: {  	_ =	shalt  }
0x6e: {  	_ =	shalt  }
0x6f: {  	_ =	shalt  }
0x70: {  	_ =	shalt  }
0x71: {  	_ =	shalt  }
0x72: {  	_ =	shalt  }
0x73: {  	_ =	shalt  }
0x74: {  	_ =	shalt  }
0x75: {  	_ =	shalt  }
0x76: {  	_ =	shalt  }
0x77: {  	_ =	shalt  }
0x78: {  	_ =	shalt  }
0x79: {  	_ =	shalt  }
0x7a: {  	_ =	shalt  }
0x7b: {  	_ =	shalt  }
0x7c: {  	_ =	shalt  }
0x7d: {  	_ =	shalt  }
0x7e: {  	_ =	shalt  }
0x7f: {  	_ =	shalt  }
0x80: {  	_ =	shalt  }
0x81: {  	_ =	shalt  }
0x82: {  	_ =	shalt  }
0x83: {  	_ =	shalt  }
0x84: {  	_ =	shalt  }
0x85: {  	_ =	shalt  }
0x86: {  	_ =	shalt  }
0x87: {  	_ =	shalt  }
.Lfunc_end0:
.L_simem_size_0:
called_computation.2_lowered:
.L_overlay_start_0:
0x88: {  	s2 =	sld [smem:$0x3FD9]  }
0x89: {  	s3 =	sld [smem:$0x3FFE];
	_ =	sdelay $0x1  }
0x8a: {  	s1 =	srdreg.scid  }
0x8b: {  	s0 =	sand.u32 $0x1, s1  }
0x8c: {  	s16 =	sshll.u32 s0, $0xA;
	s2 =	sadd.s32 s3, s2  }
0x8d: {  	s2 =	sadd.s32 s2, s16  }
0x8e: {  	[smem:$0x3FB2] =	sst s2  }
0x8f: {  	_ = 	snop  }
0x90: {  	(tm) =	ssettm $0x1  }
0x91: {  	s17 =	sld [smem:$0x3FFB];
	_ =	sdelay $0x3  }
0x92: {  	_ =	strace s17  }
0x93: {  	s2 =	sld [smem:$0x3FFC];
	_ =	sdelay $0x3  }
0x94: {  	_ =	strace s2  }
0x95: {  	s2 =	sld [smem:$0x3FFD];
	_ =	sdelay $0x3  }
0x96: {  	_ =	strace s2  }
0x97: {  	_ =	strace $0x8FFFFFFF  }
0x98: {  	s18 =	sld [smem:$0x3FDB];
	_ =	sdelay $0x1  }
0x99: {  	s19 =	simm.s32 $_scs_section_size  }
0x9a: {  	s4 =	simm.s32 $_size__tile_overlayer_lowered;
	s5 =	simm.s32 $_tile_overlayer_lowered  }
0x9b: {  	s22 =	simm.s32 $0x1BFF;
	s21 =	sshll.u32 s5, $0x1;
	s2 =	sadd.s32 s19, s18  }
0x9c: {  	s6 =	simm.s32 $0x0;
	s20 =	sshll.u32 s4, $0x1;
	s4 =	sadd.s32 s21, s2  }
0x9d: {  	[timem:s6], [sflag:s22] =	dma.local [hbm:s4], s20  }
0x9e: {  	_ =	swait.ge [sflag:s22], s20  }
0x9f: {  	s3 =	ssub.s32 $0x0, s20;
	[sflag:s22] =	ssyncset.done $0x0  }
0xa0: {  	[sflag:s22] =	ssyncadd.s32 s3;
	_ =	sdelay $0x1  }
0xa1: {  	s23 =	simm.s32 $0x1B8B  }
0xa2: {  	_ =	swait.ge [sflag:s23], $0x1  }
0xa3: {  	[sflag:s23] =	ssyncset.done $0x0  }
0xa4: {  	s25 =	simm.s32 $0x1B8E;
	s24 =	sld [smem:$0x3FFE];
	[sflag:s23] =	ssyncadd.s32 $0xFFFFFFFF  }
0xa5: {  	s26 =	simm.s32 $execute0_lowered;
	[smem:$0x3FD2] =	sst s25  }
0xa6: {  	s4 =	sshll.u32 s26, $0x1;
	_ =	strace $0x8000004C;
	[dreg:$0x1] =	wrdreg $0xFFFFFFFF  }
0xa7: {  	s28 =	simm.s32 $_size_execute0_lowered;
	s2 =	sadd.s32 s2, s4;
	[dreg:$0x0] =	wrdreg $0x0  }
0xa8: {  	s4 =	sshll.u32 s28, $0x1;
	[dreg:$0x2] =	wrdreg s2  }
0xa9: {  	[dreg:$0x3] =	wrdreg s4  }
0xaa: {  	[dreg:$0x4] =	wrdreg $0xC0  }
0xab: {  	_ =	task [dreg:s6], $0x5FFFF  }
0xac: {  	[dreg:$0x1] =	wrdreg $0xFFFFFFFF  }
0xad: {  	[dreg:$0x0] =	wrdreg $0x60  }
0xae: {  	[dreg:$0x2] =	wrdreg s24  }
0xaf: {  	[dreg:$0x3] =	wrdreg $0x0  }
0xb0: {  	[dreg:$0x4] =	wrdreg $0x9  }
0xb1: {  	_ =	task.clear_ibuf [dreg:s6], $0x5FFFF;
	_ =	strace $0x9000004C  }
0xb2: {  	s29 =	simm.s32 $0x9;
	_ =	strace $0x8000004E  }
0xb3: {  	_ =	swait.ge [sflag:s29], $0x1  }
0xb4: {  	[sflag:s29] =	ssyncadd.s32 $0xFFFFFFFF  }
0xb5: {  	_ =	strace $0x9000004E  }
0xb6: {  	_ =	sfence  }
0xb7: {  	s30 =	sld [smem:$0x0];
	_ =	sdelay $0x2  }
0xb8: {  	s31 =	sshll.u32 s1, $0xD;
	s1 =	sshrl.u32 s1, $0x2  }
0xb9: {  	s3 =	sand.u32 $0x4000, s31;
	s1 =	sadd.s32 s1, s30  }
0xba: {  	s0 =	sor.u32 s3, s0;
	s1 =	sshll.u32 s1, $0x11  }
0xbb: {  	s0 =	sor.u32 s1, s0  }
0xbc: {  	s0 =	sadd.s32 $0x8F2B, s0  }
0xbd: {  	[sflag:s0] =	ssyncadd.remote.s32 $0x1  }
0xbe: {  	_ =	sfence.sel $0xFFFF  }
0xbf: {  	[dreg:$0x0] =	wrdreg $0xFFFFFFFF;
	(pc) =	sbr.abs _section_cstart, $3  }
0xc0: {  	[dreg:$0x1] =	wrdreg $0xFFFFFFFF  }
0xc1: {  	_ =	task.clear_ibuf [dreg:s6], $0x2FFFF;
	_ =	strace $0x9FFFFFFF  }
0xc2: {  	(tm) =	ssettm $0x7FFFFFFF  }
0xc3: {  	_ =	shalt  }
tec
execute0_lowered:
.L_overlay_start_1:
0x0: {  	(tag) =	ssettag $0x1  }
0x1: {  	s6 =	rddreg [dreg:$0x0]  }
0x2: {  	s1 =	rddreg [dreg:$0x1]  }
0x3: {  	s2 =	srdreg.scid;
	s0 =	rddreg [dreg:$0x2];
	s3 =	simm.s32 $0x0  }
0x4: {  	s7 =	sand.u32 $0x1, s2;
	s2 =	stileid.u32;
	[smem:$0x7FF] =	sst s3  }
0x5: {  	s4 =	sadd.s32 $0x1B200, s6;
	s8 =	smul.u32 $0x140000, s7;
	s5 =	sshll.u32 s2, $0x5  }
0x6: {  	s9 =	smul.u32 $0x14000, s2;
	_ =	strace $0x8000004D;
	s28 =	ssub.s32 $0x2, s7  }
0x7: {  	s12 =	smul.u32 $0x50000, s2;
	s30 =	sshll.u32 s2, $0x6;
	s13 =	sshll.u32 s7, $0x4  }
0x8: {  	s10 =	sadd.s32 s5, s6;
	s5 =	sadd.s32 $0x18A00, s6;
	s11 =	sshrl.u32 s28, $0x1  }
0x9: {  	s7 =	sor.u32 $0x1C02, s30;
	s8 =	sadd.s32 s9, s8;
	s9 =	ssub.s32 s28, s11  }
0xa: {  	s29 =	sshrl.u32 s12, $0x2;
	s31 =	sadd.s32 s13, s10;
	s13 =	simm.s32 $0x2  }
0xb: {  	s8 =	sshrl.u32 s8, $0x3;
	s14 =	sadd.s32 s29, s1;
	s9 =	smax.u32 s9, $0x1  }
0xc: {  	s10 =	sadd.s32 $0x4E00, s31;
	s11 =	sadd.s32 $0xEC00, s31;
	s8 =	sadd.s32 s8, s6  }
0xd: {  	s6 =	sshll.u32 s2, $0x1;
	s12 =	sshrl.u32 s14, $0x3;
	s8 =	sadd.s32 $0x42400, s8  }
.LBB2_1:
0xe: {  	[spmem:s12], [sflag:s7] =	dma.local [hbm:s5], $0x2800  }
0xf: {  	_ =	swait.ge [sflag:s13], $0x2800  }
0x10: {  	p0 =	sgt.u32 s6, $0x9C3;
	[sflag:s13] =	ssyncset.done $0x0  }
0x11: {  	s14 =	sadd.s32 @!p0 $0x0, s11;
	s15 =	simm.s32 @!p0 $0x0;
	[sflag:s13] =	ssyncadd.s32 $0xFFFFD800  }
0x12: {  	s16 =	simm.s32 @!p0 $0x14000;
	s17 =	simm.s32 @!p0 $0x3;
	[bflag:$0x0] =	sbarrier.arrive $0xFFFF  }
0x13: {  	[tilespmem:s16], [sflag:$0x3] =	stream.linear.gather @!p0 [hbm4b:s14+s15], $0x80, $0x38;
	[tilespmem:$0x18100] =	vst v63  }
0x14: {  	_ =	swait.ge @!p0 [sflag:s17], $0x80  }
0x15: {  	[sflag:s17] =	ssyncset.done @!p0 $0x0  }
0x16: {  	s18 =	simm.s32 @!p0 $0x14080;
	s14 =	sadd.s32 @!p0 $0x0, s10;
	[sflag:s17] =	ssyncadd.s32 @!p0 $0xFFFFFF80  }
0x17: {  	[tilespmem:s18], [sflag:$0x3] =	stream.linear.gather @!p0 [hbm4b:s14+s15], $0x80, $0x38;
	[tilespmem:$0x18100] =	vst v63  }
0x18: {  	_ =	swait.ge @!p0 [sflag:s17], $0x80;
	p0 =	por p0, p0  }
0x19: {  	[sflag:s17] =	ssyncset.done @!p0 $0x0;
	s14 =	simm.s32 @!p0 $0x80  }
0x1a: {  	s15 =	simm.s32 @!p0 $0x14100;
	[sflag:s17] =	ssyncadd.s32 @!p0 $0xFFFFFF80;
	s17 =	simm.s32 @!p0 $0x1  }
0x1b: {  	[tilespmem:s15], [sflag:$0x1] =	stream.indirect.gather @!p0 [hbm4b:s4+s14], $0x80, s16, s14, $0xb8;
	[tilespmem:$0x18100] =	vst v63  }
0x1c: {  	_ =	swait.ge @!p0 [sflag:s17], $0x4000  }
0x1d: {  	[sflag:s17] =	ssyncset.done @!p0 $0x0  }
0x1e: {  	[sflag:s17] =	ssyncadd.s32 @!p0 $0xFFFFC000  }
0x1f: {  	[spmem:s1] =	stream.indirect.scatter.add.f32 @!p0 [tilespmem:s15], [sflag:$0x2], $0x80, s18, s14, $0xb8;
	[tilespmem:$0x18100] =	vst v63  }
0x20: {  	s16 =	simm.s32 $0x400;
	s17 =	simm.s32 @!p0 $0x2;
	s15 =	sadd.s32 $0x20, s6  }
0x21: {  	s14 =	simm.s32 $0x200;
	p1 =	sgt.u32 s15, $0x9C3;
	_ =	swait.ge @!p0 [sflag:s17], $0x4000  }
.LBB2_2:
0x22: {  	s18 =	sadd.s32 @!p1 s14, s11;
	s19 =	simm.s32 @!p1 $0x0;
	[sflag:s17] =	ssyncset.done @!p0 $0x0  }
0x23: {  	s20 =	simm.s32 @!p1 $0x14000;
	s21 =	simm.s32 @!p1 $0x3;
	[sflag:s17] =	ssyncadd.s32 @!p0 $0xFFFFC000  }
0x24: {  	[tilespmem:s20], [sflag:$0x3] =	stream.linear.gather @!p1 [hbm4b:s18+s19], $0x80, $0x38;
	[tilespmem:$0x18100] =	vst v63  }
0x25: {  	s17 =	smov.u32 s16;
	s16 =	sadd.s32 $0x200, s16;
	_ =	swait.ge @!p1 [sflag:s21], $0x80  }
0x26: {  	s22 =	simm.s32 @!p1 $0x14080;
	s18 =	sadd.s32 @!p1 s14, s10;
	[sflag:s21] =	ssyncset.done @!p1 $0x0  }
0x27: {  	p2 =	sne.s32 s16, $0x9E00;
	s14 =	smov.u32 s17;
	[sflag:s21] =	ssyncadd.s32 @!p1 $0xFFFFFF80  }
0x28: {  	[tilespmem:s22], [sflag:$0x3] =	stream.linear.gather @!p1 [hbm4b:s18+s19], $0x80, $0x38;
	[tilespmem:$0x18100] =	vst v63  }
0x29: {  	p0 =	por p1, p1;
	_ =	swait.ge @!p1 [sflag:s21], $0x80  }
0x2a: {  	s18 =	simm.s32 @!p0 $0x80;
	s19 =	simm.s32 @!p0 $0x14100;
	[sflag:s21] =	ssyncset.done @!p0 $0x0  }
0x2b: {  	s17 =	simm.s32 @!p0 $0x1;
	[sflag:s21] =	ssyncadd.s32 @!p0 $0xFFFFFF80  }
0x2c: {  	[tilespmem:s19], [sflag:$0x1] =	stream.indirect.gather @!p0 [hbm4b:s4+s18], $0x80, s20, s18, $0xb8;
	[tilespmem:$0x18100] =	vst v63  }
.Ltmp0:
0x2d: {  	_ =	swait.ge @!p0 [sflag:s17], $0x4000;
	(pc) =	sbr.rel @p2 .LBB2_2-.Ltmp0, $4  }
0x2e: {  	[sflag:s17] =	ssyncset.done @!p0 $0x0  }
0x2f: {  	s15 =	sadd.s32 $0x20, s15;
	[sflag:s17] =	ssyncadd.s32 @!p0 $0xFFFFC000;
	s17 =	simm.s32 @!p0 $0x2  }
0x30: {  	[spmem:s1] =	stream.indirect.scatter.add.f32 @!p0 [tilespmem:s19], [sflag:$0x2], $0x80, s22, s18, $0xb8;
	[tilespmem:$0x18100] =	vst v63  }
0x31: {  	p1 =	sgt.u32 s15, $0x9C3;
	_ =	swait.ge @!p0 [sflag:s17], $0x4000  }
0x32: {  	s15 =	sadd.s32 @!p1 s14, s11;
	s16 =	simm.s32 @!p1 $0x0;
	[sflag:s17] =	ssyncset.done @!p0 $0x0  }
0x33: {  	s18 =	simm.s32 @!p1 $0x14000;
	s19 =	simm.s32 @!p1 $0x3;
	[sflag:s17] =	ssyncadd.s32 @!p0 $0xFFFFC000  }
0x34: {  	[tilespmem:s18], [sflag:$0x3] =	stream.linear.gather @!p1 [hbm4b:s15+s16], $0x80, $0x38;
	[tilespmem:$0x18100] =	vst v63  }
0x35: {  	_ =	swait.ge @!p1 [sflag:s19], $0x80  }
0x36: {  	[sflag:s19] =	ssyncset.done @!p1 $0x0  }
0x37: {  	s14 =	sadd.s32 @!p1 s14, s10;
	s15 =	simm.s32 @!p1 $0x14080;
	[sflag:s19] =	ssyncadd.s32 @!p1 $0xFFFFFF80  }
0x38: {  	[tilespmem:s15], [sflag:$0x3] =	stream.linear.gather @!p1 [hbm4b:s14+s16], $0x80, $0x38;
	[tilespmem:$0x18100] =	vst v63  }
0x39: {  	p0 =	por p1, p1;
	_ =	swait.ge @!p1 [sflag:s19], $0x80  }
0x3a: {  	s17 =	simm.s32 @!p0 $0x1;
	[sflag:s19] =	ssyncset.done @!p0 $0x0  }
0x3b: {  	s14 =	simm.s32 @!p0 $0x80;
	s16 =	simm.s32 @!p0 $0x14100;
	[sflag:s19] =	ssyncadd.s32 @!p0 $0xFFFFFF80  }
0x3c: {  	[tilespmem:s16], [sflag:$0x1] =	stream.indirect.gather @!p0 [hbm4b:s4+s14], $0x80, s18, s14, $0xb8;
	[tilespmem:$0x18100] =	vst v63  }
0x3d: {  	_ =	swait.ge @!p0 [sflag:s17], $0x4000  }
0x3e: {  	[sflag:s17] =	ssyncset.done @!p0 $0x0  }
0x3f: {  	[sflag:s17] =	ssyncadd.s32 @!p0 $0xFFFFC000;
	s17 =	simm.s32 @!p0 $0x2  }
0x40: {  	[spmem:s1] =	stream.indirect.scatter.add.f32 @!p0 [tilespmem:s16], [sflag:$0x2], $0x80, s15, s14, $0xb8;
	[tilespmem:$0x18100] =	vst v63  }
0x41: {  	_ =	swait.ge @!p0 [sflag:s17], $0x4000  }
0x42: {  	s3 =	sadd.s32 $0x1, s3;
	[sflag:s17] =	ssyncset.done @!p0 $0x0  }
0x43: {  	[sflag:s17] =	ssyncadd.s32 @!p0 $0xFFFFC000;
	p0 =	sne.s32 s3, s9  }
.Ltmp1:
0x44: {  	[bflag:$0x0] =	sbarrier.arrive $0xFFFF;
	(pc) =	sbr.rel @p0 .LBB2_1-.Ltmp1, $4  }
0x45: {  	[hbm:s8], [sflag:s7] =	dma.local [spmem:s12], $0x2800  }
0x46: {  	_ =	swait.ge [sflag:s13], $0x2800  }
0x47: {  	[sflag:s13] =	ssyncset.done $0x0  }
0x48: {  	[sflag:s13] =	ssyncadd.s32 $0xFFFFD800  }
0x49: {  	_ =	sfence.sel $0x180000  }
0x4a: {  	[bflag:$0x0] =	sbarrier.arrive $0xFFFF  }
0x4b: {  	p0 =	sne.s32 s2, $0x0;
	_ =	strace $0x9000004D  }
0x4c: {  	s0 =	sadd.s32 @!p0 $0x100000, s0;
	[bflag:$0x2] =	sbarrier.arrive $0xFFFF  }
0x4d: {  	[sflag:s0] =	ssyncadd.tile.s32 @!p0 $0x1;
	_ =	shalt  }
.Lfunc_end2:
_tile_overlayer_lowered:
.L_overlay_start_2:
0x4e: {  	(tag) =	ssettag $0x2  }
0x4f: {  	s0 =	rddreg [dreg:$0x0];
	s2 =	stileid.u32  }
0x50: {  	s1 =	rddreg [dreg:$0x1];
	p0 =	sne.s32 s2, $0x0  }
0x51: {  	s3 =	rddreg [dreg:$0x2];
	[bflag:$0x3] =	sbarrier.arrive $0xFFFF;
	s2 =	simm.s32 @!p0 $0x1C02  }
0x52: {  	[timem:s3], [sflag:s2] =	dma.local @!p0 [hbm:s0], s1  }
0x53: {  	s0 =	simm.s32 @!p0 $0x2  }
0x54: {  	_ =	swait.ge @!p0 [sflag:s0], s1  }
0x55: {  	s1 =	ssub.s32 @!p0 $0x0, s1;
	[sflag:s0] =	ssyncset.done @!p0 $0x0  }
0x56: {  	[sflag:s0] =	ssyncadd.s32 @!p0 s1  }
0x57: {  	[bflag:$0x3] =	sbarrier.arrive $0xFFFF  }
0x58: {  	_ =	shalt  }

// kernel: kernel.9.cloned.1.call-start
scs
__scs_entry_jumppad:
0x0: {  	(pc) =	sbr.rel $0x88, $3  }
0x1: {  	(tag) =	ssettag $0x0;
	lr =	simm.s32 $0x1  }
0x2: {  	[smem:$0x3F8B] =	sst lr;
	_ =	strace $0xD0000000  }
0x3: {  	_ = 	snop  }
0x4: {  	_ = 	snop  }
0x5: {  	_ = 	snop  }
0x6: {  	_ = 	snop  }
0x7: {  	_ = 	snop  }
__scs_overlays_trampoline_lowered:
0x8: {  	[smem:$0x3F9A] =	sst s0  }
0x9: {  	[smem:$0x3F9B] =	sst s1  }
0xa: {  	[smem:$0x3F9C] =	sst s2  }
0xb: {  	[smem:$0x3F9D] =	sst s3  }
0xc: {  	[smem:$0x3F9E] =	sst s4  }
0xd: {  	[smem:$0x3F9F] =	sst s5  }
0xe: {  	[smem:$0x3FA0] =	sst s6  }
0xf: {  	[smem:$0x3FA1] =	sst s7  }
0x10: {  	[smem:$0x3FA2] =	sst s8  }
0x11: {  	[smem:$0x3FA3] =	sst s9;
	s0 =	simm.s32 @!p0 $0x0  }
0x12: {  	s1 =	sld [smem:$0x3F89];
	s0 =	simm.s32 @p0 $0x1  }
0x13: {  	[smem:$0x3FA4] =	sst s0;
	s0 =	simm.s32 @!p1 $0x0  }
0x14: {  	s2 =	sld [smem:$0x3F88];
	s0 =	simm.s32 @p1 $0x1  }
0x15: {  	[smem:$0x3FA5] =	sst s0;
	s0 =	simm.s32 @!p2 $0x0  }
0x16: {  	s3 =	sld [smem:$0x3FDB];
	s0 =	simm.s32 @p2 $0x1  }
0x17: {  	s4 =	simm.s32 $0x1BF5;
	[smem:$0x3FA7] =	sst s0  }
0x18: {  	s0 =	sld [smem:$0x3F8A];
	_ =	swait.ge [sflag:s4], $0x0  }
0x19: {  	s7 =	sld [smem:$0x3F8B]  }
0x1a: {  	s8 =	sadd.s32 $0xFFFFE003, lr  }
0x1b: {  	s9 =	sadd.s32 $0xFFFFFEF7, lr;
	s5 =	simm.s32 $0xFFFFFFFF;
	p2 =	slt.u32 s8, $0xFFFFF086  }
0x1c: {  	p1 =	slt.u32 s9, $0xF7A;
	s5 =	simm.s32 @!p2 $0x0  }
0x1d: {  	s5 =	simm.s32 @p1 $0x1;
	p0 =	seq.s32 s7, s2  }
0x1e: {  	s7 =	smul.u32 @!p0 $0xF7A, s2;
	p2 =	seq.s32 @!p0 s5, $0x0  }
0x1f: {  	s9 =	smul.u32 $0xF7A, s1;
	s8 =	simm.s32 @!p0 $0x1BF5;
	p2 =	por !p2, p0  }
0x20: {  	[sflag:s8] =	ssyncset.s32 @!p0 $0xFFFFF086;
	s6 =	sadd.s32 @!p0 s3, s7;
	s7 =	simm.s32 @!p0 $0x108  }
0x21: {  	s3 =	sadd.s32 s3, s9;
	s6 =	sadd.s32 @!p0 $0x88, s6;
	s7 =	simm.s32 @p2 $0x1082  }
0x22: {  	[simem:s7], [sflag:s8] =	dma.local @!p0 [hbm:s6], $0xF7A  }
0x23: {  	s9 =	sor.u32 $0xD0000000, s2;
	s6 =	simm.s32 $0x108;
	_ =	swait.ge @!p0 [sflag:s8], $0x0  }
0x24: {  	s3 =	sadd.s32 $0x88, s3;
	s6 =	simm.s32 @!p1 $0x1082;
	[sflag:s4] =	ssyncset.s32 $0xFFFFF086  }
0x25: {  	[simem:s6], [sflag:s4] =	dma.local [hbm:s3], $0xF7A  }
0x26: {  	[smem:$0x3F8B] =	sst s1;
	(tag) =	ssettag s2;
	_ =	strace s9  }
0x27: {  	s1 =	sld [smem:$0x3F9B]  }
0x28: {  	s2 =	sld [smem:$0x3F9C]  }
0x29: {  	s4 =	sld [smem:$0x3F9E]  }
0x2a: {  	p0 =	seq.s32 s5, $0x0;
	s5 =	sld [smem:$0x3F9F]  }
0x2b: {  	s6 =	sld [smem:$0x3FA0]  }
0x2c: {  	s7 =	sld [smem:$0x3FA1]  }
0x2d: {  	s3 =	simm.s32 $0x108;
	s8 =	sld [smem:$0x3FA2]  }
0x2e: {  	s3 =	simm.s32 @!p0 $0x1082;
	s9 =	sld [smem:$0x3FA3]  }
0x2f: {  	lr =	sadd.s32 s0, s3;
	s0 =	sld [smem:$0x3F9A]  }
0x30: {  	s3 =	sld [smem:$0x3F9D]  }
0x31: {  	[smem:$0x3FA6] =	sst s10  }
0x32: {  	s10 =	sld [smem:$0x3FA4];
	_ =	sdelay $0x3  }
0x33: {  	p0 =	seq.s32 s10, $0x1;
	s10 =	sld [smem:$0x3FA6];
	_ =	sdelay $0x3  }
0x34: {  	[smem:$0x3FA6] =	sst s10  }
0x35: {  	s10 =	sld [smem:$0x3FA5];
	_ =	sdelay $0x3  }
0x36: {  	p1 =	seq.s32 s10, $0x1;
	s10 =	sld [smem:$0x3FA6];
	_ =	sdelay $0x3  }
0x37: {  	[smem:$0x3FA6] =	sst s10  }
0x38: {  	s10 =	sld [smem:$0x3FA7]  }
0x39: {  	_ = 	snop;
	(pc) =	sbr.ind lr, $3  }
0x3a: {  	_ = 	snop  }
0x3b: {  	_ = 	snop  }
0x3c: {  	p2 =	seq.s32 s10, $0x1;
	s10 =	sld [smem:$0x3FA6]  }
0x3d: {  	_ =	shalt  }
0x3e: {  	_ =	shalt  }
0x3f: {  	_ =	shalt  }
0x40: {  	_ =	shalt  }
0x41: {  	_ =	shalt  }
0x42: {  	_ =	shalt  }
0x43: {  	_ =	shalt  }
0x44: {  	_ =	shalt  }
0x45: {  	_ =	shalt  }
0x46: {  	_ =	shalt  }
0x47: {  	_ =	shalt  }
0x48: {  	_ =	shalt  }
0x49: {  	_ =	shalt  }
0x4a: {  	_ =	shalt  }
0x4b: {  	_ =	shalt  }
0x4c: {  	_ =	shalt  }
0x4d: {  	_ =	shalt  }
0x4e: {  	_ =	shalt  }
0x4f: {  	_ =	shalt  }
0x50: {  	_ =	shalt  }
0x51: {  	_ =	shalt  }
0x52: {  	_ =	shalt  }
0x53: {  	_ =	shalt  }
0x54: {  	_ =	shalt  }
0x55: {  	_ =	shalt  }
0x56: {  	_ =	shalt  }
0x57: {  	_ =	shalt  }
0x58: {  	_ =	shalt  }
0x59: {  	_ =	shalt  }
0x5a: {  	_ =	shalt  }
0x5b: {  	_ =	shalt  }
0x5c: {  	_ =	shalt  }
0x5d: {  	_ =	shalt  }
0x5e: {  	_ =	shalt  }
0x5f: {  	_ =	shalt  }
0x60: {  	_ =	shalt  }
0x61: {  	_ =	shalt  }
0x62: {  	_ =	shalt  }
0x63: {  	_ =	shalt  }
0x64: {  	_ =	shalt  }
0x65: {  	_ =	shalt  }
0x66: {  	_ =	shalt  }
0x67: {  	_ =	shalt  }
0x68: {  	_ =	shalt  }
0x69: {  	_ =	shalt  }
0x6a: {  	_ =	shalt  }
0x6b: {  	_ =	shalt  }
0x6c: {  	_ =	shalt  }
0x6d: {  	_ =	shalt  }
0x6e: {  	_ =	shalt  }
0x6f: {  	_ =	shalt  }
0x70: {  	_ =	shalt  }
0x71: {  	_ =	shalt  }
0x72: {  	_ =	shalt  }
0x73: {  	_ =	shalt  }
0x74: {  	_ =	shalt  }
0x75: {  	_ =	shalt  }
0x76: {  	_ =	shalt  }
0x77: {  	_ =	shalt  }
0x78: {  	_ =	shalt  }
0x79: {  	_ =	shalt  }
0x7a: {  	_ =	shalt  }
0x7b: {  	_ =	shalt  }
0x7c: {  	_ =	shalt  }
0x7d: {  	_ =	shalt  }
0x7e: {  	_ =	shalt  }
0x7f: {  	_ =	shalt  }
0x80: {  	_ =	shalt  }
0x81: {  	_ =	shalt  }
0x82: {  	_ =	shalt  }
0x83: {  	_ =	shalt  }
0x84: {  	_ =	shalt  }
0x85: {  	_ =	shalt  }
0x86: {  	_ =	shalt  }
0x87: {  	_ =	shalt  }
.Lfunc_end0:
.L_simem_size_0:
called_computation_lowered:
.L_overlay_start_0:
0x88: {  	s2 =	sld [smem:$0x3FD9]  }
0x89: {  	s3 =	sld [smem:$0x3FFE];
	_ =	sdelay $0x1  }
0x8a: {  	s1 =	srdreg.scid  }
0x8b: {  	s0 =	sand.u32 $0x1, s1  }
0x8c: {  	s17 =	sshll.u32 s0, $0xA;
	s2 =	sadd.s32 s3, s2  }
0x8d: {  	s2 =	sadd.s32 s2, s17  }
0x8e: {  	[smem:$0x3FB2] =	sst s2  }
0x8f: {  	_ = 	snop  }
0x90: {  	s2 =	sld [smem:$0x3FC9];
	(tm) =	ssettm $0x1  }
0x91: {  	s18 =	sld [smem:$0x3FFB];
	_ =	sdelay $0x3  }
0x92: {  	_ =	strace s18  }
0x93: {  	s3 =	sld [smem:$0x3FFC];
	_ =	sdelay $0x3  }
0x94: {  	_ =	strace s3  }
0x95: {  	s3 =	sld [smem:$0x3FFD];
	_ =	sdelay $0x3  }
0x96: {  	_ =	strace s3  }
0x97: {  	_ =	strace $0x8FFFFFFF  }
0x98: {  	s19 =	sld [smem:$0x3FDB];
	_ =	sdelay $0x1  }
0x99: {  	s4 =	simm.s32 $_scs_section_size  }
0x9a: {  	s5 =	simm.s32 $_size__tile_overlayer_lowered;
	s6 =	simm.s32 $_tile_overlayer_lowered  }
0x9b: {  	s22 =	simm.s32 $0x1BFF;
	s21 =	sshll.u32 s6, $0x1;
	s3 =	sadd.s32 s4, s19  }
0x9c: {  	s7 =	simm.s32 $0x0;
	s20 =	sshll.u32 s5, $0x1;
	s5 =	sadd.s32 s21, s3  }
0x9d: {  	[timem:s7], [sflag:s22] =	dma.local [hbm:s5], s20  }
0x9e: {  	_ =	swait.ge [sflag:s22], s20  }
0x9f: {  	s4 =	ssub.s32 $0x0, s20;
	[sflag:s22] =	ssyncset.done $0x0  }
0xa0: {  	[sflag:s22] =	ssyncadd.s32 s4;
	_ =	sdelay $0x1  }
0xa1: {  	s23 =	simm.s32 $0x1B8B  }
0xa2: {  	_ =	swait.ge [sflag:s23], $0x1  }
0xa3: {  	[sflag:s23] =	ssyncset.done $0x0  }
0xa4: {  	s25 =	simm.s32 $0x1B8E;
	s24 =	sld [smem:$0x3FFE];
	[sflag:s23] =	ssyncadd.s32 $0xFFFFFFFF  }
0xa5: {  	s26 =	simm.s32 $execute0_lowered;
	[smem:$0x3FD2] =	sst s25  }
0xa6: {  	s5 =	sshll.u32 s26, $0x1;
	_ =	strace $0x80000046;
	[dreg:$0x1] =	wrdreg $0xFFFFFFFF  }
0xa7: {  	s28 =	simm.s32 $_size_execute0_lowered;
	s3 =	sadd.s32 s3, s5;
	[dreg:$0x0] =	wrdreg $0x0  }
0xa8: {  	s5 =	sshll.u32 s28, $0x1;
	[dreg:$0x2] =	wrdreg s3  }
0xa9: {  	[dreg:$0x3] =	wrdreg s5  }
0xaa: {  	[dreg:$0x4] =	wrdreg $0xC0  }
0xab: {  	_ =	task [dreg:s7], $0x5FFFF  }
0xac: {  	[dreg:$0x1] =	wrdreg $0xFFFFFFFF  }
0xad: {  	[dreg:$0x0] =	wrdreg $0x60  }
0xae: {  	[dreg:$0x2] =	wrdreg s2  }
0xaf: {  	[dreg:$0x3] =	wrdreg s24  }
0xb0: {  	[dreg:$0x4] =	wrdreg $0x0  }
0xb1: {  	[dreg:$0x5] =	wrdreg $0x9  }
0xb2: {  	_ =	task.clear_ibuf [dreg:s7], $0x6FFFF;
	_ =	strace $0x90000046  }
0xb3: {  	s29 =	simm.s32 $0x9;
	_ =	strace $0x80000048  }
0xb4: {  	_ =	swait.ge [sflag:s29], $0x1  }
0xb5: {  	[sflag:s29] =	ssyncadd.s32 $0xFFFFFFFF  }
0xb6: {  	_ =	strace $0x90000048  }
0xb7: {  	_ =	sfence  }
0xb8: {  	s30 =	sld [smem:$0x0];
	_ =	sdelay $0x2  }
0xb9: {  	s31 =	sshll.u32 s1, $0xD;
	s1 =	sshrl.u32 s1, $0x2  }
0xba: {  	s3 =	sand.u32 $0x4000, s31;
	s1 =	sadd.s32 s1, s30  }
0xbb: {  	s0 =	sor.u32 s3, s0;
	s1 =	sshll.u32 s1, $0x11  }
0xbc: {  	s0 =	sor.u32 s1, s0  }
0xbd: {  	s0 =	sadd.s32 $0x8F2B, s0  }
0xbe: {  	[sflag:s0] =	ssyncadd.remote.s32 $0x1  }
0xbf: {  	_ =	sfence.sel $0xFFFF  }
0xc0: {  	[dreg:$0x0] =	wrdreg $0xFFFFFFFF;
	(pc) =	sbr.abs _section_cstart, $3  }
0xc1: {  	[dreg:$0x1] =	wrdreg $0xFFFFFFFF  }
0xc2: {  	_ =	task.clear_ibuf [dreg:s7], $0x2FFFF;
	_ =	strace $0x9FFFFFFF  }
0xc3: {  	(tm) =	ssettm $0x7FFFFFFF  }
tec
execute0_lowered:
.L_overlay_start_1:
0x0: {  	(tag) =	ssettag $0x1  }
0x1: {  	s1 =	rddreg [dreg:$0x0]  }
0x2: {  	s6 =	rddreg [dreg:$0x1]  }
0x3: {  	s2 =	rddreg [dreg:$0x2]  }
0x4: {  	s3 =	srdreg.scid;
	s0 =	rddreg [dreg:$0x3]  }
0x5: {  	s4 =	simm.s32 $0x0;
	s7 =	sand.u32 $0x1, s3;
	s3 =	stileid.u32  }
0x6: {  	[smem:$0x7FF] =	sst s4;
	s8 =	smul.u32 $0x140000, s7;
	s5 =	sshll.u32 s3, $0x5  }
0x7: {  	s9 =	smul.u32 $0x14000, s3;
	_ =	strace $0x80000047;
	s28 =	ssub.s32 $0x2, s7  }
0x8: {  	s12 =	smul.u32 $0x50000, s3;
	s30 =	sshll.u32 s3, $0x6;
	s13 =	sshll.u32 s7, $0x4  }
0x9: {  	s10 =	sadd.s32 s5, s6;
	s5 =	sadd.s32 $0x18A00, s6;
	s11 =	sshrl.u32 s28, $0x1  }
0xa: {  	s7 =	sor.u32 $0x1C02, s30;
	s8 =	sadd.s32 s9, s8;
	s9 =	ssub.s32 s28, s11  }
0xb: {  	s29 =	sshrl.u32 s12, $0x2;
	s31 =	sadd.s32 s13, s10;
	s13 =	simm.s32 $0x2  }
0xc: {  	s8 =	sshrl.u32 s8, $0x3;
	s14 =	sadd.s32 s29, s2;
	s9 =	smax.u32 s9, $0x1  }
0xd: {  	s10 =	sadd.s32 $0x4E00, s31;
	s11 =	sadd.s32 $0xEC00, s31;
	s8 =	sadd.s32 s8, s6  }
0xe: {  	s6 =	sshll.u32 s3, $0x1;
	s12 =	sshrl.u32 s14, $0x3;
	s8 =	sadd.s32 $0x1B200, s8  }
.LBB2_1:
0xf: {  	[spmem:s12], [sflag:s7] =	dma.local [hbm:s5], $0x2800  }
0x10: {  	_ =	swait.ge [sflag:s13], $0x2800  }
0x11: {  	p0 =	sgt.u32 s6, $0x9C3;
	[sflag:s13] =	ssyncset.done $0x0  }
0x12: {  	s14 =	sadd.s32 @!p0 $0x0, s11;
	s15 =	simm.s32 @!p0 $0x0;
	[sflag:s13] =	ssyncadd.s32 $0xFFFFD800  }
0x13: {  	s16 =	simm.s32 @!p0 $0x14000;
	s17 =	simm.s32 @!p0 $0x3;
	[bflag:$0x0] =	sbarrier.arrive $0xFFFF  }
0x14: {  	[tilespmem:s16], [sflag:$0x3] =	stream.linear.gather @!p0 [hbm4b:s14+s15], $0x80, $0x38;
	[tilespmem:$0x18100] =	vst v63  }
0x15: {  	_ =	swait.ge @!p0 [sflag:s17], $0x80  }
0x16: {  	[sflag:s17] =	ssyncset.done @!p0 $0x0  }
0x17: {  	s18 =	simm.s32 @!p0 $0x14080;
	s14 =	sadd.s32 @!p0 $0x0, s10;
	[sflag:s17] =	ssyncadd.s32 @!p0 $0xFFFFFF80  }
0x18: {  	[tilespmem:s18], [sflag:$0x3] =	stream.linear.gather @!p0 [hbm4b:s14+s15], $0x80, $0x38;
	[tilespmem:$0x18100] =	vst v63  }
0x19: {  	_ =	swait.ge @!p0 [sflag:s17], $0x80;
	p0 =	por p0, p0  }
0x1a: {  	[sflag:s17] =	ssyncset.done @!p0 $0x0;
	s14 =	simm.s32 @!p0 $0x80  }
0x1b: {  	s15 =	simm.s32 @!p0 $0x14100;
	[sflag:s17] =	ssyncadd.s32 @!p0 $0xFFFFFF80;
	s17 =	simm.s32 @!p0 $0x1  }
0x1c: {  	[tilespmem:s15], [sflag:$0x1] =	stream.indirect.gather @!p0 [hbm4b:s1+s14], $0x80, s16, s14, $0xb8;
	[tilespmem:$0x18100] =	vst v63  }
0x1d: {  	_ =	swait.ge @!p0 [sflag:s17], $0x4000  }
0x1e: {  	[sflag:s17] =	ssyncset.done @!p0 $0x0  }
0x1f: {  	[sflag:s17] =	ssyncadd.s32 @!p0 $0xFFFFC000  }
0x20: {  	[spmem:s2] =	stream.indirect.scatter.add.f32 @!p0 [tilespmem:s15], [sflag:$0x2], $0x80, s18, s14, $0xb8;
	[tilespmem:$0x18100] =	vst v63  }
0x21: {  	s16 =	simm.s32 $0x400;
	s17 =	simm.s32 @!p0 $0x2;
	s15 =	sadd.s32 $0x20, s6  }
0x22: {  	s14 =	simm.s32 $0x200;
	p1 =	sgt.u32 s15, $0x9C3;
	_ =	swait.ge @!p0 [sflag:s17], $0x4000  }
.LBB2_2:
0x23: {  	s18 =	sadd.s32 @!p1 s14, s11;
	s19 =	simm.s32 @!p1 $0x0;
	[sflag:s17] =	ssyncset.done @!p0 $0x0  }
0x24: {  	s20 =	simm.s32 @!p1 $0x14000;
	s21 =	simm.s32 @!p1 $0x3;
	[sflag:s17] =	ssyncadd.s32 @!p0 $0xFFFFC000  }
0x25: {  	[tilespmem:s20], [sflag:$0x3] =	stream.linear.gather @!p1 [hbm4b:s18+s19], $0x80, $0x38;
	[tilespmem:$0x18100] =	vst v63  }
0x26: {  	s17 =	smov.u32 s16;
	s16 =	sadd.s32 $0x200, s16;
	_ =	swait.ge @!p1 [sflag:s21], $0x80  }
0x27: {  	s22 =	simm.s32 @!p1 $0x14080;
	s18 =	sadd.s32 @!p1 s14, s10;
	[sflag:s21] =	ssyncset.done @!p1 $0x0  }
0x28: {  	p2 =	sne.s32 s16, $0x9E00;
	s14 =	smov.u32 s17;
	[sflag:s21] =	ssyncadd.s32 @!p1 $0xFFFFFF80  }
0x29: {  	[tilespmem:s22], [sflag:$0x3] =	stream.linear.gather @!p1 [hbm4b:s18+s19], $0x80, $0x38;
	[tilespmem:$0x18100] =	vst v63  }
0x2a: {  	p0 =	por p1, p1;
	_ =	swait.ge @!p1 [sflag:s21], $0x80  }
0x2b: {  	s18 =	simm.s32 @!p0 $0x80;
	s19 =	simm.s32 @!p0 $0x14100;
	[sflag:s21] =	ssyncset.done @!p0 $0x0  }
0x2c: {  	s17 =	simm.s32 @!p0 $0x1;
	[sflag:s21] =	ssyncadd.s32 @!p0 $0xFFFFFF80  }
0x2d: {  	[tilespmem:s19], [sflag:$0x1] =	stream.indirect.gather @!p0 [hbm4b:s1+s18], $0x80, s20, s18, $0xb8;
	[tilespmem:$0x18100] =	vst v63  }
.Ltmp0:
0x2e: {  	_ =	swait.ge @!p0 [sflag:s17], $0x4000;
	(pc) =	sbr.rel @p2 .LBB2_2-.Ltmp0, $4  }
0x2f: {  	[sflag:s17] =	ssyncset.done @!p0 $0x0  }
0x30: {  	s15 =	sadd.s32 $0x20, s15;
	[sflag:s17] =	ssyncadd.s32 @!p0 $0xFFFFC000;
	s17 =	simm.s32 @!p0 $0x2  }
0x31: {  	[spmem:s2] =	stream.indirect.scatter.add.f32 @!p0 [tilespmem:s19], [sflag:$0x2], $0x80, s22, s18, $0xb8;
	[tilespmem:$0x18100] =	vst v63  }
0x32: {  	p1 =	sgt.u32 s15, $0x9C3;
	_ =	swait.ge @!p0 [sflag:s17], $0x4000  }
0x33: {  	s15 =	sadd.s32 @!p1 s14, s11;
	s16 =	simm.s32 @!p1 $0x0;
	[sflag:s17] =	ssyncset.done @!p0 $0x0  }
0x34: {  	s18 =	simm.s32 @!p1 $0x14000;
	s19 =	simm.s32 @!p1 $0x3;
	[sflag:s17] =	ssyncadd.s32 @!p0 $0xFFFFC000  }
0x35: {  	[tilespmem:s18], [sflag:$0x3] =	stream.linear.gather @!p1 [hbm4b:s15+s16], $0x80, $0x38;
	[tilespmem:$0x18100] =	vst v63  }
0x36: {  	_ =	swait.ge @!p1 [sflag:s19], $0x80  }
0x37: {  	[sflag:s19] =	ssyncset.done @!p1 $0x0  }
0x38: {  	s14 =	sadd.s32 @!p1 s14, s10;
	s15 =	simm.s32 @!p1 $0x14080;
	[sflag:s19] =	ssyncadd.s32 @!p1 $0xFFFFFF80  }
0x39: {  	[tilespmem:s15], [sflag:$0x3] =	stream.linear.gather @!p1 [hbm4b:s14+s16], $0x80, $0x38;
	[tilespmem:$0x18100] =	vst v63  }
0x3a: {  	p0 =	por p1, p1;
	_ =	swait.ge @!p1 [sflag:s19], $0x80  }
0x3b: {  	s17 =	simm.s32 @!p0 $0x1;
	[sflag:s19] =	ssyncset.done @!p0 $0x0  }
0x3c: {  	s14 =	simm.s32 @!p0 $0x80;
	s16 =	simm.s32 @!p0 $0x14100;
	[sflag:s19] =	ssyncadd.s32 @!p0 $0xFFFFFF80  }
0x3d: {  	[tilespmem:s16], [sflag:$0x1] =	stream.indirect.gather @!p0 [hbm4b:s1+s14], $0x80, s18, s14, $0xb8;
	[tilespmem:$0x18100] =	vst v63  }
0x3e: {  	_ =	swait.ge @!p0 [sflag:s17], $0x4000  }
0x3f: {  	[sflag:s17] =	ssyncset.done @!p0 $0x0  }
0x40: {  	[sflag:s17] =	ssyncadd.s32 @!p0 $0xFFFFC000;
	s17 =	simm.s32 @!p0 $0x2  }
0x41: {  	[spmem:s2] =	stream.indirect.scatter.add.f32 @!p0 [tilespmem:s16], [sflag:$0x2], $0x80, s15, s14, $0xb8;
	[tilespmem:$0x18100] =	vst v63  }
0x42: {  	_ =	swait.ge @!p0 [sflag:s17], $0x4000  }
0x43: {  	s4 =	sadd.s32 $0x1, s4;
	[sflag:s17] =	ssyncset.done @!p0 $0x0  }
0x44: {  	[sflag:s17] =	ssyncadd.s32 @!p0 $0xFFFFC000;
	p0 =	sne.s32 s4, s9  }
.Ltmp1:
0x45: {  	[bflag:$0x0] =	sbarrier.arrive $0xFFFF;
	(pc) =	sbr.rel @p0 .LBB2_1-.Ltmp1, $4  }
0x46: {  	[hbm:s8], [sflag:s7] =	dma.local [spmem:s12], $0x2800  }
0x47: {  	_ =	swait.ge [sflag:s13], $0x2800  }
0x48: {  	[sflag:s13] =	ssyncset.done $0x0  }
0x49: {  	[sflag:s13] =	ssyncadd.s32 $0xFFFFD800  }
0x4a: {  	_ =	sfence.sel $0x180000  }
0x4b: {  	[bflag:$0x0] =	sbarrier.arrive $0xFFFF  }
0x4c: {  	p0 =	sne.s32 s3, $0x0;
	_ =	strace $0x90000047  }
0x4d: {  	s0 =	sadd.s32 @!p0 $0x100000, s0;
	[bflag:$0x2] =	sbarrier.arrive $0xFFFF  }
0x4e: {  	[sflag:s0] =	ssyncadd.tile.s32 @!p0 $0x1;
	_ =	shalt  }
.Lfunc_end2:
_tile_overlayer_lowered:
.L_overlay_start_2:
0x4f: {  	(tag) =	ssettag $0x2  }
0x50: {  	s0 =	rddreg [dreg:$0x0];
	s2 =	stileid.u32  }
0x51: {  	s1 =	rddreg [dreg:$0x1];
	p0 =	sne.s32 s2, $0x0  }
0x52: {  	s3 =	rddreg [dreg:$0x2];
	[bflag:$0x3] =	sbarrier.arrive $0xFFFF;
	s2 =	simm.s32 @!p0 $0x1C02  }
0x53: {  	[timem:s3], [sflag:s2] =	dma.local @!p0 [hbm:s0], s1  }
0x54: {  	s0 =	simm.s32 @!p0 $0x2  }
0x55: {  	_ =	swait.ge @!p0 [sflag:s0], s1  }
0x56: {  	s1 =	ssub.s32 @!p0 $0x0, s1;
	[sflag:s0] =	ssyncset.done @!p0 $0x0  }
0x57: {  	[sflag:s0] =	ssyncadd.s32 @!p0 s1  }
0x58: {  	[bflag:$0x3] =	sbarrier.arrive $0xFFFF  }
0x59: {  	_ =	shalt  }

</sc_bundles>
